<compile_context>
chip_gen: v7x
topology: tpu7x:2x2x1
jax: 0.10.2.dev20260603
libtpu: 0.0.44.dev20260713+nightly
codegen_flags: <defaults>
</compile_context>

<pallas_src>
import functools

import jax
import jax.numpy as jnp
from jax import lax
from jax.experimental import pallas as pl
from jax.experimental.pallas import tpu as pltpu
from jax.experimental.pallas import tpu_sc as plsc

N = 10000
E = 320000
D = 128

NC = 2
NS = 16
NW = NC * NS

EB = 128
N_PAD = 10240
K = 2
NSG = 5
SGB = 16
NB = NSG * SGB
E_PAD = NW * NB * EB
RPT = N_PAD // NS

_MESH = plsc.VectorSubcoreMesh(core_axis_name="c", subcore_axis_name="s")


def _deg_body(dst_hbm, z16_hbm, out, dst_v, ones, acc, sem):
    c = lax.axis_index("c")
    s = lax.axis_index("s")
    wid = s * NC + c
    r0 = s * RPT

    pltpu.async_copy(z16_hbm.at[pl.ds(r0, RPT)], acc.at[pl.ds(r0, RPT)], sem).wait()
    pltpu.sync_copy(dst_hbm.at[wid], dst_v)

    def fill(i, carry):
        ones[i, :] = jnp.ones((16,), jnp.float32)
        return carry

    lax.fori_loop(0, EB, fill, 0)
    plsc.subcore_barrier()

    def body(i, carry):
        pltpu.sync_copy(ones, acc.at[dst_v.at[i]], add=True)
        return carry

    lax.fori_loop(0, NB, body, 0)
    plsc.subcore_barrier()
    pltpu.async_copy(acc.at[pl.ds(r0, RPT)], out.at[c, pl.ds(r0, RPT)], sem).wait()


_deg_call = pl.kernel(
    _deg_body,
    out_type=jax.ShapeDtypeStruct((NC, N_PAD, 16), jnp.float32),
    mesh=_MESH,
    scratch_types=[
        pltpu.VMEM((NB, EB), jnp.int32),
        pltpu.VMEM((EB, 16), jnp.float32),
        pltpu.VMEM_SHARED((N_PAD, 16), jnp.float32),
        pltpu.SemaphoreType.DMA,
    ],
)


def _gcn_body(y_hbm, z_hbm, src_hbm, dst_hbm, out,
              sgs, sgd, rb0, rb1, acc, gsem, isem):
    rows = [rb0, rb1]
    c = lax.axis_index("c")
    s = lax.axis_index("s")
    wid = s * NC + c
    r0 = s * RPT

    pltpu.async_copy(z_hbm.at[pl.ds(r0, RPT)], acc.at[pl.ds(r0, RPT)], isem).wait()
    plsc.subcore_barrier()

    def batch(i, carry):
        pltpu.sync_copy(src_hbm.at[wid, i], sgs)
        pltpu.sync_copy(dst_hbm.at[wid, i], sgd)
        pltpu.async_copy(y_hbm.at[sgs], rows[0], gsem).wait()
        pltpu.sync_copy(rows[0], acc.at[sgd], add=True)
        return carry

    lax.fori_loop(0, NB, batch, 0)
    plsc.subcore_barrier()
    pltpu.async_copy(acc.at[pl.ds(r0, RPT)], out.at[c, pl.ds(r0, RPT)], isem).wait()


_gcn_call = pl.kernel(
    _gcn_body,
    out_type=jax.ShapeDtypeStruct((NC, N_PAD, D), jnp.float32),
    mesh=_MESH,
    scratch_types=[pltpu.VMEM((EB,), jnp.int32)] * 2
    + [pltpu.VMEM((EB, D), jnp.float32)] * K
    + [pltpu.VMEM_SHARED((N_PAD, D), jnp.float32)]
    + [pltpu.SemaphoreType.DMA] * 2,
)


BN = 640
_GRID = (N_PAD // BN,)
_row_spec = pl.BlockSpec((BN, D), lambda i: (i, 0))
_acc_spec = pl.BlockSpec((NC, BN, D), lambda i: (0, i, 0))
_deg_spec = pl.BlockSpec((NC, BN, 16), lambda i: (0, i, 0))
_w_spec = pl.BlockSpec((D, D), lambda i: (0, 0))
_b_spec = pl.BlockSpec((1, D), lambda i: (0, 0))
_f32 = functools.partial(jax.ShapeDtypeStruct, dtype=jnp.float32)


def _dinv(dp_ref):
    return lax.rsqrt(dp_ref[0, :, :1] + dp_ref[1, :, :1] + 1.0)


def _mm_body(x_ref, w_ref, o_ref):
    o_ref[:, :] = jnp.dot(x_ref[:, :], w_ref[:, :], preferred_element_type=jnp.float32)


_mm_call = pl.pallas_call(
    _mm_body,
    grid=_GRID,
    in_specs=[_row_spec, _w_spec],
    out_specs=_row_spec,
    out_shape=_f32((N_PAD, D)),
)


def _scale_body(xw_ref, dp_ref, o_ref):
    o_ref[:, :] = xw_ref[:, :] * _dinv(dp_ref)


_scale_call = pl.pallas_call(
    _scale_body,
    grid=_GRID,
    in_specs=[_row_spec, _deg_spec],
    out_specs=_row_spec,
    out_shape=_f32((N_PAD, D)),
)


def _mid_body(a_ref, y_ref, dp_ref, b1_ref, w2_ref, o_ref):
    dinv = _dinv(dp_ref)
    agg = a_ref[0, :, :] + a_ref[1, :, :] + y_ref[:, :]
    h = jnp.maximum(agg * dinv + b1_ref[:, :], 0.0)
    o_ref[:, :] = jnp.dot(h, w2_ref[:, :], preferred_element_type=jnp.float32) * dinv


_mid_call = pl.pallas_call(
    _mid_body,
    grid=_GRID,
    in_specs=[_acc_spec, _row_spec, _deg_spec, _b_spec, _w_spec],
    out_specs=_row_spec,
    out_shape=_f32((N_PAD, D)),
)


def _fin_body(a_ref, y_ref, dp_ref, b2_ref, o_ref):
    agg = a_ref[0, :, :] + a_ref[1, :, :] + y_ref[:, :]
    o_ref[:, :] = agg * _dinv(dp_ref) + b2_ref[:, :]


_fin_call = pl.pallas_call(
    _fin_body,
    grid=_GRID,
    in_specs=[_acc_spec, _row_spec, _deg_spec, _b_spec],
    out_specs=_row_spec,
    out_shape=_f32((N_PAD, D)),
)


def kernel(x, edge_index, W1, b1, W2, b2):
    src = edge_index[0].astype(jnp.int32)
    dst = edge_index[1].astype(jnp.int32)
    npad_e = E_PAD - E
    pad_src = jnp.full((npad_e,), N, jnp.int32)
    pad_dst = N + (jnp.arange(npad_e, dtype=jnp.int32) % (N_PAD - N))
    src4 = jnp.concatenate([src, pad_src]).reshape(NW, NB, EB)
    dst4 = jnp.concatenate([dst, pad_dst]).reshape(NW, NB, EB)
    dst3 = dst4

    x_p = jnp.zeros((N_PAD, D), jnp.float32).at[:N].set(x)
    z2 = jnp.zeros((N_PAD, D), jnp.float32)
    z16 = jnp.zeros((N_PAD, 16), jnp.float32)

    dp = _deg_call(dst3, z16)
    xw1 = _mm_call(x_p, W1)
    y1 = _scale_call(xw1, dp)
    a1l = _gcn_call(y1, z2, src4, dst4)
    y2 = _mid_call(a1l, y1, dp, b1.reshape(1, D), W2)
    a2l = _gcn_call(y2, z2, src4, dst4)
    out = _fin_call(a2l, y2, dp, b2.reshape(1, D))
    return out[:N]

# --- scband reference (transcript-rebuilt; emitter-appended) ---
"""Pipeline reference for scband-gcn-15315853378154 (READ-ONLY COPY).

The authoritative reference and input builder live on the scoring server;
editing this copy changes nothing except your own understanding.
"""

import jax, jax.numpy as jnp
import numpy as np

N = 10000
E = 320000
D_IN = 128
D_HID = 128
D_OUT = 128


def setup_inputs(seed: int = 0) -> dict:
    key = jax.random.key(seed)
    ks = jax.random.split(key, 6)
    x = jax.random.normal(ks[0], (N, D_IN), dtype=jnp.float32)
    edge_index = jax.random.randint(ks[1], (2, E), 0, N, dtype=jnp.int32)
    # GCNConv weights: weight [in, out], bias [out] (glorot-style init)
    W1 = jax.random.normal(ks[2], (D_IN, D_HID), dtype=jnp.float32) * (1.0 / np.sqrt(D_IN))
    b1 = jnp.zeros((D_HID,), dtype=jnp.float32)
    W2 = jax.random.normal(ks[3], (D_HID, D_OUT), dtype=jnp.float32) * (1.0 / np.sqrt(D_HID))
    b2 = jnp.zeros((D_OUT,), dtype=jnp.float32)
    return {"x": x, "edge_index": edge_index, "W1": W1, "b1": b1, "W2": W2, "b2": b2}


def gcn_layer(x, edge_index, W, b):
    # Faithful PyG GCNConv: add self-loops, symmetric D^{-1/2}(A+I)D^{-1/2} normalization,
    # linear transform, scatter-add aggregation over dst nodes, bias.
    num_nodes = x.shape[0]
    src = edge_index[0]
    dst = edge_index[1]
    loop = jnp.arange(num_nodes, dtype=src.dtype)
    src = jnp.concatenate([src, loop])
    dst = jnp.concatenate([dst, loop])
    deg = jax.ops.segment_sum(jnp.ones(src.shape[0], dtype=jnp.float32), dst, num_segments=num_nodes)
    dinv = jnp.where(deg > 0, jax.lax.rsqrt(jnp.maximum(deg, 1e-12)), 0.0)
    norm = dinv[src] * dinv[dst]
    xw = x @ W
    msg = jnp.take(xw, src, axis=0) * norm[:, None]
    out = jax.ops.segment_sum(msg, dst, num_segments=num_nodes)
    return out + b


def reference(x, edge_index, W1, b1, W2, b2):
    # GCN forward: layer1 -> ReLU -> (dropout: identity in eval) -> layer2
    h = gcn_layer(x, edge_index, W1, b1)
    h = jax.nn.relu(h)
    out = gcn_layer(h, edge_index, W2, b2)
    return out

if __name__ == "__main__":
    import jax
    _d = setup_inputs()
    print(jax.jit(kernel)(*tuple(_d.values())))

</pallas_src>

<mosaic_0001>
#map = affine_map<(d0, d1) -> (0, 0, 0)>
#map1 = affine_map<(d0, d1) -> (0, 0)>
module attributes {stable_mosaic.version = 14 : i64} {
  func.func @_deg_body(%arg0: i32, %arg1: i32, %arg2: memref<32x80x128xi32, #tpu.memory_space<hbm>>, %arg3: memref<10240x16xf32, #tpu.memory_space<hbm>>, %arg4: memref<2x10240x16xf32, #tpu.memory_space<hbm>>, %arg5: memref<80x128xi32, #tpu.memory_space<vmem>>, %arg6: memref<128x16xf32, #tpu.memory_space<vmem>>, %arg7: memref<10240x16xf32, #tpu.memory_space<vmem_shared>>, %arg8: memref<!tpu.dma_semaphore, #tpu.memory_space<semaphore_mem>>) attributes {dimension_semantics = [#tpu.dimension_semantics<core_parallel>, #tpu.dimension_semantics<subcore_parallel>], iteration_bounds = array<i64: 2, 16>, scalar_prefetch = 0 : i64, scratch_operands = 4 : i64, tpu.core_type = #tpu.core_type<sc_vector_subcore>, window_params = [{transform_indices = #map}, {transform_indices = #map1}, {transform_indices = #map}]} {
    %mul3A = arith.constant 2 : i32
    %mul3A_0 = arith.muli %arg1, %mul3A : i32
    %add3A = arith.addi %mul3A_0, %arg0 : i32
    %mul3A_1 = arith.constant 640 : i32
    %mul3A_2 = arith.muli %arg1, %mul3A_1 : i32
    %dma_start3A = arith.constant 0 : i32
    %dma_start3A_3 = tpu.memref_slice %arg7[%mul3A_2, %dma_start3A] : memref<10240x16xf32, #tpu.memory_space<vmem_shared>> -> memref<640x16xf32, #tpu.memory_space<vmem_shared>>
    %dma_start3A_4 = arith.constant 0 : i32
    %dma_start3A_5 = tpu.memref_slice %arg3[%mul3A_2, %dma_start3A_4] : memref<10240x16xf32, #tpu.memory_space<hbm>> -> memref<640x16xf32, #tpu.memory_space<hbm>>
    tpu.enqueue_dma source(%dma_start3A_5 : memref<640x16xf32, #tpu.memory_space<hbm>>) target(%dma_start3A_3 : memref<640x16xf32, #tpu.memory_space<vmem_shared>>) target_semaphore(%arg8 : memref<!tpu.dma_semaphore, #tpu.memory_space<semaphore_mem>>)
    %dma_wait3A = arith.constant 0 : i32
    %dma_wait3A_6 = tpu.memref_slice %arg7[%mul3A_2, %dma_wait3A] : memref<10240x16xf32, #tpu.memory_space<vmem_shared>> -> memref<640x16xf32, #tpu.memory_space<vmem_shared>>
    %dma_wait3A_7 = arith.constant 0 : i32
    %dma_wait3A_8 = tpu.memref_slice %arg3[%mul3A_2, %dma_wait3A_7] : memref<10240x16xf32, #tpu.memory_space<hbm>> -> memref<640x16xf32, #tpu.memory_space<hbm>>
    tpu.wait_dma2 semaphore(%arg8 : memref<!tpu.dma_semaphore, #tpu.memory_space<semaphore_mem>>) src(%dma_wait3A_8 : memref<640x16xf32, #tpu.memory_space<hbm>>) dst(%dma_wait3A_6 : memref<640x16xf32, #tpu.memory_space<vmem_shared>>)
    "tpu.region"() ({
      %run_scoped3A = tpu.sem_alloc : memref<!tpu.dma_semaphore, #tpu.memory_space<semaphore_mem>>
      %dma_start3A_31 = arith.constant 0 : i32
      %dma_start3A_32 = arith.constant 0 : i32
      %dma_start3A_33 = tpu.memref_slice %arg2[%add3A, %dma_start3A_31, %dma_start3A_32] : memref<32x80x128xi32, #tpu.memory_space<hbm>> -> memref<1x80x128xi32, #tpu.memory_space<hbm>>
      %dma_start3A_34 = tpu.memref_squeeze %dma_start3A_33 : memref<1x80x128xi32, #tpu.memory_space<hbm>> -> memref<80x128xi32, #tpu.memory_space<hbm>>
      %dma_start3A_35 = arith.constant 0 : i32
      %dma_start3A_36 = arith.constant 0 : i32
      %dma_start3A_37 = tpu.memref_slice %arg2[%add3A, %dma_start3A_35, %dma_start3A_36] : memref<32x80x128xi32, #tpu.memory_space<hbm>> -> memref<1x80x128xi32, #tpu.memory_space<hbm>>
      %dma_start3A_38 = tpu.memref_squeeze %dma_start3A_37 : memref<1x80x128xi32, #tpu.memory_space<hbm>> -> memref<80x128xi32, #tpu.memory_space<hbm>>
      tpu.enqueue_dma source(%dma_start3A_38 : memref<80x128xi32, #tpu.memory_space<hbm>>) target(%arg5 : memref<80x128xi32, #tpu.memory_space<vmem>>) target_semaphore(%run_scoped3A : memref<!tpu.dma_semaphore, #tpu.memory_space<semaphore_mem>>)
      %dma_wait3A_39 = arith.constant 0 : i32
      %dma_wait3A_40 = arith.constant 0 : i32
      %dma_wait3A_41 = tpu.memref_slice %arg2[%add3A, %dma_wait3A_39, %dma_wait3A_40] : memref<32x80x128xi32, #tpu.memory_space<hbm>> -> memref<1x80x128xi32, #tpu.memory_space<hbm>>
      %dma_wait3A_42 = tpu.memref_squeeze %dma_wait3A_41 : memref<1x80x128xi32, #tpu.memory_space<hbm>> -> memref<80x128xi32, #tpu.memory_space<hbm>>
      %dma_wait3A_43 = arith.constant 0 : i32
      %dma_wait3A_44 = arith.constant 0 : i32
      %dma_wait3A_45 = tpu.memref_slice %arg2[%add3A, %dma_wait3A_43, %dma_wait3A_44] : memref<32x80x128xi32, #tpu.memory_space<hbm>> -> memref<1x80x128xi32, #tpu.memory_space<hbm>>
      %dma_wait3A_46 = tpu.memref_squeeze %dma_wait3A_45 : memref<1x80x128xi32, #tpu.memory_space<hbm>> -> memref<80x128xi32, #tpu.memory_space<hbm>>
      tpu.wait_dma2 semaphore(%run_scoped3A : memref<!tpu.dma_semaphore, #tpu.memory_space<semaphore_mem>>) src(%dma_wait3A_46 : memref<80x128xi32, #tpu.memory_space<hbm>>) dst(%arg5 : memref<80x128xi32, #tpu.memory_space<vmem>>)
      tpu.yield
    }) : () -> ()
    %scan3A = arith.constant 0 : i32
    %scan3A_9 = arith.constant 0 : i32
    %scan3A_10 = arith.constant 128 : i32
    %scan3A_11 = arith.addi %scan3A_9, %scan3A_10 : i32
    %scan3A_12 = arith.constant 1 : i32
    scf.for %scan3A_31 = %scan3A_9 to %scan3A_11 step %scan3A_12  : i32 {
      %broadcast_in_dim3A = arith.constant 1.000000e+00 : f32
      %broadcast_in_dim3A_32 = vector.broadcast %broadcast_in_dim3A : f32 to vector<16xf32>
      %swap3A = arith.index_cast %scan3A_31 : i32 to index
      %swap3A_33 = arith.constant 0 : index
      %swap3A_34 = tpu.vector_load %arg6[%swap3A, %swap3A_33] {strides = array<i32>} : memref<128x16xf32, #tpu.memory_space<vmem>>, vector<1x16xf32>,
      %swap3A_35 = vector.shape_cast %swap3A_34 : vector<1x16xf32> to vector<16xf32>
      %swap3A_36 = vector.shape_cast %broadcast_in_dim3A_32 : vector<16xf32> to vector<1x16xf32>
      tpu.vector_store %arg6[%swap3A, %swap3A_33], %swap3A_36 {strides = array<i32>} : memref<128x16xf32, #tpu.memory_space<vmem>>, vector<1x16xf32>,
    }
    %scan3A_13 = arith.constant 128 : i32
    %barrier3A = arith.constant 0 : index
    tpu.barrier barrier_id(%barrier3A)
    %scan3A_14 = arith.constant 0 : i32
    %scan3A_15 = arith.constant 0 : i32
    %scan3A_16 = arith.constant 80 : i32
    %scan3A_17 = arith.addi %scan3A_15, %scan3A_16 : i32
    %scan3A_18 = arith.constant 1 : i32
    scf.for %scan3A_31 = %scan3A_15 to %scan3A_17 step %scan3A_18  : i32 {
      "tpu.region"() ({
        %run_scoped3A = tpu.sem_alloc : memref<!tpu.dma_semaphore, #tpu.memory_space<semaphore_mem>>
        %dma_start3A_32 = arith.constant 0 : i32
        %dma_start3A_33 = tpu.memref_slice %arg5[%scan3A_31, %dma_start3A_32] : memref<80x128xi32, #tpu.memory_space<vmem>> -> memref<1x128xi32, #tpu.memory_space<vmem>>
        %dma_start3A_34 = tpu.memref_squeeze %dma_start3A_33 : memref<1x128xi32, #tpu.memory_space<vmem>> -> memref<128xi32, #tpu.memory_space<vmem>>
        %dma_start3A_35 = arith.constant 0 : i32
        %dma_start3A_36 = arith.constant 0 : i32
        %dma_start3A_37 = tpu.memref_slice %arg7[%dma_start3A_35, %dma_start3A_36] : memref<10240x16xf32, #tpu.memory_space<vmem_shared>> -> memref<10240x16xf32, #tpu.memory_space<vmem_shared>>
        tpu.enqueue_indirect_dma source(%arg6 : memref<128x16xf32, #tpu.memory_space<vmem>>) target(%dma_start3A_37 : memref<10240x16xf32, #tpu.memory_space<vmem_shared>>) offsets(%dma_start3A_34 : memref<128xi32, #tpu.memory_space<vmem>>) semaphore(%run_scoped3A : memref<!tpu.dma_semaphore, #tpu.memory_space<semaphore_mem>>) {add = true}
        %dma_wait3A_38 = arith.constant 0 : i32
        %dma_wait3A_39 = tpu.memref_slice %arg5[%scan3A_31, %dma_wait3A_38] : memref<80x128xi32, #tpu.memory_space<vmem>> -> memref<1x128xi32, #tpu.memory_space<vmem>>
        %dma_wait3A_40 = tpu.memref_squeeze %dma_wait3A_39 : memref<1x128xi32, #tpu.memory_space<vmem>> -> memref<128xi32, #tpu.memory_space<vmem>>
        %dma_wait3A_41 = arith.constant 0 : i32
        %dma_wait3A_42 = arith.constant 0 : i32
        %dma_wait3A_43 = tpu.memref_slice %arg7[%dma_wait3A_41, %dma_wait3A_42] : memref<10240x16xf32, #tpu.memory_space<vmem_shared>> -> memref<10240x16xf32, #tpu.memory_space<vmem_shared>>
        tpu.wait_indirect_dma semaphore(%run_scoped3A : memref<!tpu.dma_semaphore, #tpu.memory_space<semaphore_mem>>) src(%arg6 : memref<128x16xf32, #tpu.memory_space<vmem>>) dst(%dma_wait3A_43 : memref<10240x16xf32, #tpu.memory_space<vmem_shared>>)
        tpu.yield
      }) : () -> ()
    }
    %scan3A_19 = arith.constant 80 : i32
    %barrier3A_20 = arith.constant 0 : index
    tpu.barrier barrier_id(%barrier3A_20)
    %dma_start3A_21 = arith.constant 0 : i32
    %dma_start3A_22 = tpu.memref_slice %arg4[%arg0, %mul3A_2, %dma_start3A_21] : memref<2x10240x16xf32, #tpu.memory_space<hbm>> -> memref<1x640x16xf32, #tpu.memory_space<hbm>>
    %dma_start3A_23 = tpu.memref_squeeze %dma_start3A_22 : memref<1x640x16xf32, #tpu.memory_space<hbm>> -> memref<640x16xf32, #tpu.memory_space<hbm>>
    %dma_start3A_24 = arith.constant 0 : i32
    %dma_start3A_25 = tpu.memref_slice %arg7[%mul3A_2, %dma_start3A_24] : memref<10240x16xf32, #tpu.memory_space<vmem_shared>> -> memref<640x16xf32, #tpu.memory_space<vmem_shared>>
    tpu.enqueue_dma source(%dma_start3A_25 : memref<640x16xf32, #tpu.memory_space<vmem_shared>>) target(%dma_start3A_23 : memref<640x16xf32, #tpu.memory_space<hbm>>) target_semaphore(%arg8 : memref<!tpu.dma_semaphore, #tpu.memory_space<semaphore_mem>>)
    %dma_wait3A_26 = arith.constant 0 : i32
    %dma_wait3A_27 = tpu.memref_slice %arg4[%arg0, %mul3A_2, %dma_wait3A_26] : memref<2x10240x16xf32, #tpu.memory_space<hbm>> -> memref<1x640x16xf32, #tpu.memory_space<hbm>>
    %dma_wait3A_28 = tpu.memref_squeeze %dma_wait3A_27 : memref<1x640x16xf32, #tpu.memory_space<hbm>> -> memref<640x16xf32, #tpu.memory_space<hbm>>
    %dma_wait3A_29 = arith.constant 0 : i32
    %dma_wait3A_30 = tpu.memref_slice %arg7[%mul3A_2, %dma_wait3A_29] : memref<10240x16xf32, #tpu.memory_space<vmem_shared>> -> memref<640x16xf32, #tpu.memory_space<vmem_shared>>
    tpu.wait_dma2 semaphore(%arg8 : memref<!tpu.dma_semaphore, #tpu.memory_space<semaphore_mem>>) src(%dma_wait3A_30 : memref<640x16xf32, #tpu.memory_space<vmem_shared>>) dst(%dma_wait3A_28 : memref<640x16xf32, #tpu.memory_space<hbm>>)
    return
  }
}

#map = affine_map<(d0, d1) -> (0, 0)>
#map1 = affine_map<(d0, d1) -> (0, 0, 0)>
module attributes {stable_mosaic.version = 14 : i64} {
  func.func @_gcn_body(%arg0: i32, %arg1: i32, %arg2: memref<10240x128xf32, #tpu.memory_space<hbm>>, %arg3: memref<10240x128xf32, #tpu.memory_space<hbm>>, %arg4: memref<32x80x128xi32, #tpu.memory_space<hbm>>, %arg5: memref<32x80x128xi32, #tpu.memory_space<hbm>>, %arg6: memref<2x10240x128xf32, #tpu.memory_space<hbm>>, %arg7: memref<128xi32, #tpu.memory_space<vmem>>, %arg8: memref<128xi32, #tpu.memory_space<vmem>>, %arg9: memref<128x128xf32, #tpu.memory_space<vmem>>, %arg10: memref<128x128xf32, #tpu.memory_space<vmem>>, %arg11: memref<10240x128xf32, #tpu.memory_space<vmem_shared>>, %arg12: memref<!tpu.dma_semaphore, #tpu.memory_space<semaphore_mem>>, %arg13: memref<!tpu.dma_semaphore, #tpu.memory_space<semaphore_mem>>) attributes {dimension_semantics = [#tpu.dimension_semantics<core_parallel>, #tpu.dimension_semantics<subcore_parallel>], iteration_bounds = array<i64: 2, 16>, scalar_prefetch = 0 : i64, scratch_operands = 7 : i64, tpu.core_type = #tpu.core_type<sc_vector_subcore>, window_params = [{transform_indices = #map}, {transform_indices = #map}, {transform_indices = #map1}, {transform_indices = #map1}, {transform_indices = #map1}]} {
    %mul3A = arith.constant 2 : i32
    %mul3A_0 = arith.muli %arg1, %mul3A : i32
    %add3A = arith.addi %mul3A_0, %arg0 : i32
    %mul3A_1 = arith.constant 640 : i32
    %mul3A_2 = arith.muli %arg1, %mul3A_1 : i32
    %dma_start3A = arith.constant 0 : i32
    %dma_start3A_3 = tpu.memref_slice %arg11[%mul3A_2, %dma_start3A] : memref<10240x128xf32, #tpu.memory_space<vmem_shared>> -> memref<640x128xf32, #tpu.memory_space<vmem_shared>>
    %dma_start3A_4 = arith.constant 0 : i32
    %dma_start3A_5 = tpu.memref_slice %arg3[%mul3A_2, %dma_start3A_4] : memref<10240x128xf32, #tpu.memory_space<hbm>> -> memref<640x128xf32, #tpu.memory_space<hbm>>
    tpu.enqueue_dma source(%dma_start3A_5 : memref<640x128xf32, #tpu.memory_space<hbm>>) target(%dma_start3A_3 : memref<640x128xf32, #tpu.memory_space<vmem_shared>>) target_semaphore(%arg13 : memref<!tpu.dma_semaphore, #tpu.memory_space<semaphore_mem>>)
    %dma_wait3A = arith.constant 0 : i32
    %dma_wait3A_6 = tpu.memref_slice %arg11[%mul3A_2, %dma_wait3A] : memref<10240x128xf32, #tpu.memory_space<vmem_shared>> -> memref<640x128xf32, #tpu.memory_space<vmem_shared>>
    %dma_wait3A_7 = arith.constant 0 : i32
    %dma_wait3A_8 = tpu.memref_slice %arg3[%mul3A_2, %dma_wait3A_7] : memref<10240x128xf32, #tpu.memory_space<hbm>> -> memref<640x128xf32, #tpu.memory_space<hbm>>
    tpu.wait_dma2 semaphore(%arg13 : memref<!tpu.dma_semaphore, #tpu.memory_space<semaphore_mem>>) src(%dma_wait3A_8 : memref<640x128xf32, #tpu.memory_space<hbm>>) dst(%dma_wait3A_6 : memref<640x128xf32, #tpu.memory_space<vmem_shared>>)
    %barrier3A = arith.constant 0 : index
    tpu.barrier barrier_id(%barrier3A)
    %scan3A = arith.constant 0 : i32
    %scan3A_9 = arith.constant 0 : i32
    %scan3A_10 = arith.constant 80 : i32
    %scan3A_11 = arith.addi %scan3A_9, %scan3A_10 : i32
    %scan3A_12 = arith.constant 1 : i32
    scf.for %scan3A_25 = %scan3A_9 to %scan3A_11 step %scan3A_12  : i32 {
      "tpu.region"() ({
        %run_scoped3A = tpu.sem_alloc : memref<!tpu.dma_semaphore, #tpu.memory_space<semaphore_mem>>
        %dma_start3A_32 = arith.constant 0 : i32
        %dma_start3A_33 = tpu.memref_slice %arg4[%add3A, %scan3A_25, %dma_start3A_32] : memref<32x80x128xi32, #tpu.memory_space<hbm>> -> memref<1x1x128xi32, #tpu.memory_space<hbm>>
        %dma_start3A_34 = tpu.memref_squeeze %dma_start3A_33 : memref<1x1x128xi32, #tpu.memory_space<hbm>> -> memref<128xi32, #tpu.memory_space<hbm>>
        %dma_start3A_35 = arith.constant 0 : i32
        %dma_start3A_36 = tpu.memref_slice %arg4[%add3A, %scan3A_25, %dma_start3A_35] : memref<32x80x128xi32, #tpu.memory_space<hbm>> -> memref<1x1x128xi32, #tpu.memory_space<hbm>>
        %dma_start3A_37 = tpu.memref_squeeze %dma_start3A_36 : memref<1x1x128xi32, #tpu.memory_space<hbm>> -> memref<128xi32, #tpu.memory_space<hbm>>
        tpu.enqueue_dma source(%dma_start3A_37 : memref<128xi32, #tpu.memory_space<hbm>>) target(%arg7 : memref<128xi32, #tpu.memory_space<vmem>>) target_semaphore(%run_scoped3A : memref<!tpu.dma_semaphore, #tpu.memory_space<semaphore_mem>>)
        %dma_wait3A_38 = arith.constant 0 : i32
        %dma_wait3A_39 = tpu.memref_slice %arg4[%add3A, %scan3A_25, %dma_wait3A_38] : memref<32x80x128xi32, #tpu.memory_space<hbm>> -> memref<1x1x128xi32, #tpu.memory_space<hbm>>
        %dma_wait3A_40 = tpu.memref_squeeze %dma_wait3A_39 : memref<1x1x128xi32, #tpu.memory_space<hbm>> -> memref<128xi32, #tpu.memory_space<hbm>>
        %dma_wait3A_41 = arith.constant 0 : i32
        %dma_wait3A_42 = tpu.memref_slice %arg4[%add3A, %scan3A_25, %dma_wait3A_41] : memref<32x80x128xi32, #tpu.memory_space<hbm>> -> memref<1x1x128xi32, #tpu.memory_space<hbm>>
        %dma_wait3A_43 = tpu.memref_squeeze %dma_wait3A_42 : memref<1x1x128xi32, #tpu.memory_space<hbm>> -> memref<128xi32, #tpu.memory_space<hbm>>
        tpu.wait_dma2 semaphore(%run_scoped3A : memref<!tpu.dma_semaphore, #tpu.memory_space<semaphore_mem>>) src(%dma_wait3A_43 : memref<128xi32, #tpu.memory_space<hbm>>) dst(%arg7 : memref<128xi32, #tpu.memory_space<vmem>>)
        tpu.yield
      }) : () -> ()
      "tpu.region"() ({
        %run_scoped3A = tpu.sem_alloc : memref<!tpu.dma_semaphore, #tpu.memory_space<semaphore_mem>>
        %dma_start3A_32 = arith.constant 0 : i32
        %dma_start3A_33 = tpu.memref_slice %arg5[%add3A, %scan3A_25, %dma_start3A_32] : memref<32x80x128xi32, #tpu.memory_space<hbm>> -> memref<1x1x128xi32, #tpu.memory_space<hbm>>
        %dma_start3A_34 = tpu.memref_squeeze %dma_start3A_33 : memref<1x1x128xi32, #tpu.memory_space<hbm>> -> memref<128xi32, #tpu.memory_space<hbm>>
        %dma_start3A_35 = arith.constant 0 : i32
        %dma_start3A_36 = tpu.memref_slice %arg5[%add3A, %scan3A_25, %dma_start3A_35] : memref<32x80x128xi32, #tpu.memory_space<hbm>> -> memref<1x1x128xi32, #tpu.memory_space<hbm>>
        %dma_start3A_37 = tpu.memref_squeeze %dma_start3A_36 : memref<1x1x128xi32, #tpu.memory_space<hbm>> -> memref<128xi32, #tpu.memory_space<hbm>>
        tpu.enqueue_dma source(%dma_start3A_37 : memref<128xi32, #tpu.memory_space<hbm>>) target(%arg8 : memref<128xi32, #tpu.memory_space<vmem>>) target_semaphore(%run_scoped3A : memref<!tpu.dma_semaphore, #tpu.memory_space<semaphore_mem>>)
        %dma_wait3A_38 = arith.constant 0 : i32
        %dma_wait3A_39 = tpu.memref_slice %arg5[%add3A, %scan3A_25, %dma_wait3A_38] : memref<32x80x128xi32, #tpu.memory_space<hbm>> -> memref<1x1x128xi32, #tpu.memory_space<hbm>>
        %dma_wait3A_40 = tpu.memref_squeeze %dma_wait3A_39 : memref<1x1x128xi32, #tpu.memory_space<hbm>> -> memref<128xi32, #tpu.memory_space<hbm>>
        %dma_wait3A_41 = arith.constant 0 : i32
        %dma_wait3A_42 = tpu.memref_slice %arg5[%add3A, %scan3A_25, %dma_wait3A_41] : memref<32x80x128xi32, #tpu.memory_space<hbm>> -> memref<1x1x128xi32, #tpu.memory_space<hbm>>
        %dma_wait3A_43 = tpu.memref_squeeze %dma_wait3A_42 : memref<1x1x128xi32, #tpu.memory_space<hbm>> -> memref<128xi32, #tpu.memory_space<hbm>>
        tpu.wait_dma2 semaphore(%run_scoped3A : memref<!tpu.dma_semaphore, #tpu.memory_space<semaphore_mem>>) src(%dma_wait3A_43 : memref<128xi32, #tpu.memory_space<hbm>>) dst(%arg8 : memref<128xi32, #tpu.memory_space<vmem>>)
        tpu.yield
      }) : () -> ()
      %dma_start3A_26 = arith.constant 0 : i32
      %dma_start3A_27 = arith.constant 0 : i32
      %dma_start3A_28 = tpu.memref_slice %arg2[%dma_start3A_26, %dma_start3A_27] : memref<10240x128xf32, #tpu.memory_space<hbm>> -> memref<10240x128xf32, #tpu.memory_space<hbm>>
      tpu.enqueue_indirect_dma source(%dma_start3A_28 : memref<10240x128xf32, #tpu.memory_space<hbm>>) target(%arg9 : memref<128x128xf32, #tpu.memory_space<vmem>>) offsets(%arg7 : memref<128xi32, #tpu.memory_space<vmem>>) semaphore(%arg12 : memref<!tpu.dma_semaphore, #tpu.memory_space<semaphore_mem>>)
      %dma_wait3A_29 = arith.constant 0 : i32
      %dma_wait3A_30 = arith.constant 0 : i32
      %dma_wait3A_31 = tpu.memref_slice %arg2[%dma_wait3A_29, %dma_wait3A_30] : memref<10240x128xf32, #tpu.memory_space<hbm>> -> memref<10240x128xf32, #tpu.memory_space<hbm>>
      tpu.wait_indirect_dma semaphore(%arg12 : memref<!tpu.dma_semaphore, #tpu.memory_space<semaphore_mem>>) src(%dma_wait3A_31 : memref<10240x128xf32, #tpu.memory_space<hbm>>) dst(%arg9 : memref<128x128xf32, #tpu.memory_space<vmem>>)
      "tpu.region"() ({
        %run_scoped3A = tpu.sem_alloc : memref<!tpu.dma_semaphore, #tpu.memory_space<semaphore_mem>>
        %dma_start3A_32 = arith.constant 0 : i32
        %dma_start3A_33 = arith.constant 0 : i32
        %dma_start3A_34 = tpu.memref_slice %arg11[%dma_start3A_32, %dma_start3A_33] : memref<10240x128xf32, #tpu.memory_space<vmem_shared>> -> memref<10240x128xf32, #tpu.memory_space<vmem_shared>>
        tpu.enqueue_indirect_dma source(%arg9 : memref<128x128xf32, #tpu.memory_space<vmem>>) target(%dma_start3A_34 : memref<10240x128xf32, #tpu.memory_space<vmem_shared>>) offsets(%arg8 : memref<128xi32, #tpu.memory_space<vmem>>) semaphore(%run_scoped3A : memref<!tpu.dma_semaphore, #tpu.memory_space<semaphore_mem>>) {add = true}
        %dma_wait3A_35 = arith.constant 0 : i32
        %dma_wait3A_36 = arith.constant 0 : i32
        %dma_wait3A_37 = tpu.memref_slice %arg11[%dma_wait3A_35, %dma_wait3A_36] : memref<10240x128xf32, #tpu.memory_space<vmem_shared>> -> memref<10240x128xf32, #tpu.memory_space<vmem_shared>>
        tpu.wait_indirect_dma semaphore(%run_scoped3A : memref<!tpu.dma_semaphore, #tpu.memory_space<semaphore_mem>>) src(%arg9 : memref<128x128xf32, #tpu.memory_space<vmem>>) dst(%dma_wait3A_37 : memref<10240x128xf32, #tpu.memory_space<vmem_shared>>)
        tpu.yield
      }) : () -> ()
    }
    %scan3A_13 = arith.constant 80 : i32
    %barrier3A_14 = arith.constant 0 : index
    tpu.barrier barrier_id(%barrier3A_14)
    %dma_start3A_15 = arith.constant 0 : i32
    %dma_start3A_16 = tpu.memref_slice %arg6[%arg0, %mul3A_2, %dma_start3A_15] : memref<2x10240x128xf32, #tpu.memory_space<hbm>> -> memref<1x640x128xf32, #tpu.memory_space<hbm>>
    %dma_start3A_17 = tpu.memref_squeeze %dma_start3A_16 : memref<1x640x128xf32, #tpu.memory_space<hbm>> -> memref<640x128xf32, #tpu.memory_space<hbm>>
    %dma_start3A_18 = arith.constant 0 : i32
    %dma_start3A_19 = tpu.memref_slice %arg11[%mul3A_2, %dma_start3A_18] : memref<10240x128xf32, #tpu.memory_space<vmem_shared>> -> memref<640x128xf32, #tpu.memory_space<vmem_shared>>
    tpu.enqueue_dma source(%dma_start3A_19 : memref<640x128xf32, #tpu.memory_space<vmem_shared>>) target(%dma_start3A_17 : memref<640x128xf32, #tpu.memory_space<hbm>>) target_semaphore(%arg13 : memref<!tpu.dma_semaphore, #tpu.memory_space<semaphore_mem>>)
    %dma_wait3A_20 = arith.constant 0 : i32
    %dma_wait3A_21 = tpu.memref_slice %arg6[%arg0, %mul3A_2, %dma_wait3A_20] : memref<2x10240x128xf32, #tpu.memory_space<hbm>> -> memref<1x640x128xf32, #tpu.memory_space<hbm>>
    %dma_wait3A_22 = tpu.memref_squeeze %dma_wait3A_21 : memref<1x640x128xf32, #tpu.memory_space<hbm>> -> memref<640x128xf32, #tpu.memory_space<hbm>>
    %dma_wait3A_23 = arith.constant 0 : i32
    %dma_wait3A_24 = tpu.memref_slice %arg11[%mul3A_2, %dma_wait3A_23] : memref<10240x128xf32, #tpu.memory_space<vmem_shared>> -> memref<640x128xf32, #tpu.memory_space<vmem_shared>>
    tpu.wait_dma2 semaphore(%arg13 : memref<!tpu.dma_semaphore, #tpu.memory_space<semaphore_mem>>) src(%dma_wait3A_24 : memref<640x128xf32, #tpu.memory_space<vmem_shared>>) dst(%dma_wait3A_22 : memref<640x128xf32, #tpu.memory_space<hbm>>)
    return
  }
}

#map = affine_map<(d0, d1) -> (0, 0)>
#map1 = affine_map<(d0, d1) -> (0, 0, 0)>
module attributes {stable_mosaic.version = 14 : i64} {
  func.func @_gcn_body(%arg0: i32, %arg1: i32, %arg2: memref<10240x128xf32, #tpu.memory_space<hbm>>, %arg3: memref<10240x128xf32, #tpu.memory_space<hbm>>, %arg4: memref<32x80x128xi32, #tpu.memory_space<hbm>>, %arg5: memref<32x80x128xi32, #tpu.memory_space<hbm>>, %arg6: memref<2x10240x128xf32, #tpu.memory_space<hbm>>, %arg7: memref<128xi32, #tpu.memory_space<vmem>>, %arg8: memref<128xi32, #tpu.memory_space<vmem>>, %arg9: memref<128x128xf32, #tpu.memory_space<vmem>>, %arg10: memref<128x128xf32, #tpu.memory_space<vmem>>, %arg11: memref<10240x128xf32, #tpu.memory_space<vmem_shared>>, %arg12: memref<!tpu.dma_semaphore, #tpu.memory_space<semaphore_mem>>, %arg13: memref<!tpu.dma_semaphore, #tpu.memory_space<semaphore_mem>>) attributes {dimension_semantics = [#tpu.dimension_semantics<core_parallel>, #tpu.dimension_semantics<subcore_parallel>], iteration_bounds = array<i64: 2, 16>, scalar_prefetch = 0 : i64, scratch_operands = 7 : i64, tpu.core_type = #tpu.core_type<sc_vector_subcore>, window_params = [{transform_indices = #map}, {transform_indices = #map}, {transform_indices = #map1}, {transform_indices = #map1}, {transform_indices = #map1}]} {
    %mul3A = arith.constant 2 : i32
    %mul3A_0 = arith.muli %arg1, %mul3A : i32
    %add3A = arith.addi %mul3A_0, %arg0 : i32
    %mul3A_1 = arith.constant 640 : i32
    %mul3A_2 = arith.muli %arg1, %mul3A_1 : i32
    %dma_start3A = arith.constant 0 : i32
    %dma_start3A_3 = tpu.memref_slice %arg11[%mul3A_2, %dma_start3A] : memref<10240x128xf32, #tpu.memory_space<vmem_shared>> -> memref<640x128xf32, #tpu.memory_space<vmem_shared>>
    %dma_start3A_4 = arith.constant 0 : i32
    %dma_start3A_5 = tpu.memref_slice %arg3[%mul3A_2, %dma_start3A_4] : memref<10240x128xf32, #tpu.memory_space<hbm>> -> memref<640x128xf32, #tpu.memory_space<hbm>>
    tpu.enqueue_dma source(%dma_start3A_5 : memref<640x128xf32, #tpu.memory_space<hbm>>) target(%dma_start3A_3 : memref<640x128xf32, #tpu.memory_space<vmem_shared>>) target_semaphore(%arg13 : memref<!tpu.dma_semaphore, #tpu.memory_space<semaphore_mem>>)
    %dma_wait3A = arith.constant 0 : i32
    %dma_wait3A_6 = tpu.memref_slice %arg11[%mul3A_2, %dma_wait3A] : memref<10240x128xf32, #tpu.memory_space<vmem_shared>> -> memref<640x128xf32, #tpu.memory_space<vmem_shared>>
    %dma_wait3A_7 = arith.constant 0 : i32
    %dma_wait3A_8 = tpu.memref_slice %arg3[%mul3A_2, %dma_wait3A_7] : memref<10240x128xf32, #tpu.memory_space<hbm>> -> memref<640x128xf32, #tpu.memory_space<hbm>>
    tpu.wait_dma2 semaphore(%arg13 : memref<!tpu.dma_semaphore, #tpu.memory_space<semaphore_mem>>) src(%dma_wait3A_8 : memref<640x128xf32, #tpu.memory_space<hbm>>) dst(%dma_wait3A_6 : memref<640x128xf32, #tpu.memory_space<vmem_shared>>)
    %barrier3A = arith.constant 0 : index
    tpu.barrier barrier_id(%barrier3A)
    %scan3A = arith.constant 0 : i32
    %scan3A_9 = arith.constant 0 : i32
    %scan3A_10 = arith.constant 80 : i32
    %scan3A_11 = arith.addi %scan3A_9, %scan3A_10 : i32
    %scan3A_12 = arith.constant 1 : i32
    scf.for %scan3A_25 = %scan3A_9 to %scan3A_11 step %scan3A_12  : i32 {
      "tpu.region"() ({
        %run_scoped3A = tpu.sem_alloc : memref<!tpu.dma_semaphore, #tpu.memory_space<semaphore_mem>>
        %dma_start3A_32 = arith.constant 0 : i32
        %dma_start3A_33 = tpu.memref_slice %arg4[%add3A, %scan3A_25, %dma_start3A_32] : memref<32x80x128xi32, #tpu.memory_space<hbm>> -> memref<1x1x128xi32, #tpu.memory_space<hbm>>
        %dma_start3A_34 = tpu.memref_squeeze %dma_start3A_33 : memref<1x1x128xi32, #tpu.memory_space<hbm>> -> memref<128xi32, #tpu.memory_space<hbm>>
        %dma_start3A_35 = arith.constant 0 : i32
        %dma_start3A_36 = tpu.memref_slice %arg4[%add3A, %scan3A_25, %dma_start3A_35] : memref<32x80x128xi32, #tpu.memory_space<hbm>> -> memref<1x1x128xi32, #tpu.memory_space<hbm>>
        %dma_start3A_37 = tpu.memref_squeeze %dma_start3A_36 : memref<1x1x128xi32, #tpu.memory_space<hbm>> -> memref<128xi32, #tpu.memory_space<hbm>>
        tpu.enqueue_dma source(%dma_start3A_37 : memref<128xi32, #tpu.memory_space<hbm>>) target(%arg7 : memref<128xi32, #tpu.memory_space<vmem>>) target_semaphore(%run_scoped3A : memref<!tpu.dma_semaphore, #tpu.memory_space<semaphore_mem>>)
        %dma_wait3A_38 = arith.constant 0 : i32
        %dma_wait3A_39 = tpu.memref_slice %arg4[%add3A, %scan3A_25, %dma_wait3A_38] : memref<32x80x128xi32, #tpu.memory_space<hbm>> -> memref<1x1x128xi32, #tpu.memory_space<hbm>>
        %dma_wait3A_40 = tpu.memref_squeeze %dma_wait3A_39 : memref<1x1x128xi32, #tpu.memory_space<hbm>> -> memref<128xi32, #tpu.memory_space<hbm>>
        %dma_wait3A_41 = arith.constant 0 : i32
        %dma_wait3A_42 = tpu.memref_slice %arg4[%add3A, %scan3A_25, %dma_wait3A_41] : memref<32x80x128xi32, #tpu.memory_space<hbm>> -> memref<1x1x128xi32, #tpu.memory_space<hbm>>
        %dma_wait3A_43 = tpu.memref_squeeze %dma_wait3A_42 : memref<1x1x128xi32, #tpu.memory_space<hbm>> -> memref<128xi32, #tpu.memory_space<hbm>>
        tpu.wait_dma2 semaphore(%run_scoped3A : memref<!tpu.dma_semaphore, #tpu.memory_space<semaphore_mem>>) src(%dma_wait3A_43 : memref<128xi32, #tpu.memory_space<hbm>>) dst(%arg7 : memref<128xi32, #tpu.memory_space<vmem>>)
        tpu.yield
      }) : () -> ()
      "tpu.region"() ({
        %run_scoped3A = tpu.sem_alloc : memref<!tpu.dma_semaphore, #tpu.memory_space<semaphore_mem>>
        %dma_start3A_32 = arith.constant 0 : i32
        %dma_start3A_33 = tpu.memref_slice %arg5[%add3A, %scan3A_25, %dma_start3A_32] : memref<32x80x128xi32, #tpu.memory_space<hbm>> -> memref<1x1x128xi32, #tpu.memory_space<hbm>>
        %dma_start3A_34 = tpu.memref_squeeze %dma_start3A_33 : memref<1x1x128xi32, #tpu.memory_space<hbm>> -> memref<128xi32, #tpu.memory_space<hbm>>
        %dma_start3A_35 = arith.constant 0 : i32
        %dma_start3A_36 = tpu.memref_slice %arg5[%add3A, %scan3A_25, %dma_start3A_35] : memref<32x80x128xi32, #tpu.memory_space<hbm>> -> memref<1x1x128xi32, #tpu.memory_space<hbm>>
        %dma_start3A_37 = tpu.memref_squeeze %dma_start3A_36 : memref<1x1x128xi32, #tpu.memory_space<hbm>> -> memref<128xi32, #tpu.memory_space<hbm>>
        tpu.enqueue_dma source(%dma_start3A_37 : memref<128xi32, #tpu.memory_space<hbm>>) target(%arg8 : memref<128xi32, #tpu.memory_space<vmem>>) target_semaphore(%run_scoped3A : memref<!tpu.dma_semaphore, #tpu.memory_space<semaphore_mem>>)
        %dma_wait3A_38 = arith.constant 0 : i32
        %dma_wait3A_39 = tpu.memref_slice %arg5[%add3A, %scan3A_25, %dma_wait3A_38] : memref<32x80x128xi32, #tpu.memory_space<hbm>> -> memref<1x1x128xi32, #tpu.memory_space<hbm>>
        %dma_wait3A_40 = tpu.memref_squeeze %dma_wait3A_39 : memref<1x1x128xi32, #tpu.memory_space<hbm>> -> memref<128xi32, #tpu.memory_space<hbm>>
        %dma_wait3A_41 = arith.constant 0 : i32
        %dma_wait3A_42 = tpu.memref_slice %arg5[%add3A, %scan3A_25, %dma_wait3A_41] : memref<32x80x128xi32, #tpu.memory_space<hbm>> -> memref<1x1x128xi32, #tpu.memory_space<hbm>>
        %dma_wait3A_43 = tpu.memref_squeeze %dma_wait3A_42 : memref<1x1x128xi32, #tpu.memory_space<hbm>> -> memref<128xi32, #tpu.memory_space<hbm>>
        tpu.wait_dma2 semaphore(%run_scoped3A : memref<!tpu.dma_semaphore, #tpu.memory_space<semaphore_mem>>) src(%dma_wait3A_43 : memref<128xi32, #tpu.memory_space<hbm>>) dst(%arg8 : memref<128xi32, #tpu.memory_space<vmem>>)
        tpu.yield
      }) : () -> ()
      %dma_start3A_26 = arith.constant 0 : i32
      %dma_start3A_27 = arith.constant 0 : i32
      %dma_start3A_28 = tpu.memref_slice %arg2[%dma_start3A_26, %dma_start3A_27] : memref<10240x128xf32, #tpu.memory_space<hbm>> -> memref<10240x128xf32, #tpu.memory_space<hbm>>
      tpu.enqueue_indirect_dma source(%dma_start3A_28 : memref<10240x128xf32, #tpu.memory_space<hbm>>) target(%arg9 : memref<128x128xf32, #tpu.memory_space<vmem>>) offsets(%arg7 : memref<128xi32, #tpu.memory_space<vmem>>) semaphore(%arg12 : memref<!tpu.dma_semaphore, #tpu.memory_space<semaphore_mem>>)
      %dma_wait3A_29 = arith.constant 0 : i32
      %dma_wait3A_30 = arith.constant 0 : i32
      %dma_wait3A_31 = tpu.memref_slice %arg2[%dma_wait3A_29, %dma_wait3A_30] : memref<10240x128xf32, #tpu.memory_space<hbm>> -> memref<10240x128xf32, #tpu.memory_space<hbm>>
      tpu.wait_indirect_dma semaphore(%arg12 : memref<!tpu.dma_semaphore, #tpu.memory_space<semaphore_mem>>) src(%dma_wait3A_31 : memref<10240x128xf32, #tpu.memory_space<hbm>>) dst(%arg9 : memref<128x128xf32, #tpu.memory_space<vmem>>)
      "tpu.region"() ({
        %run_scoped3A = tpu.sem_alloc : memref<!tpu.dma_semaphore, #tpu.memory_space<semaphore_mem>>
        %dma_start3A_32 = arith.constant 0 : i32
        %dma_start3A_33 = arith.constant 0 : i32
        %dma_start3A_34 = tpu.memref_slice %arg11[%dma_start3A_32, %dma_start3A_33] : memref<10240x128xf32, #tpu.memory_space<vmem_shared>> -> memref<10240x128xf32, #tpu.memory_space<vmem_shared>>
        tpu.enqueue_indirect_dma source(%arg9 : memref<128x128xf32, #tpu.memory_space<vmem>>) target(%dma_start3A_34 : memref<10240x128xf32, #tpu.memory_space<vmem_shared>>) offsets(%arg8 : memref<128xi32, #tpu.memory_space<vmem>>) semaphore(%run_scoped3A : memref<!tpu.dma_semaphore, #tpu.memory_space<semaphore_mem>>) {add = true}
        %dma_wait3A_35 = arith.constant 0 : i32
        %dma_wait3A_36 = arith.constant 0 : i32
        %dma_wait3A_37 = tpu.memref_slice %arg11[%dma_wait3A_35, %dma_wait3A_36] : memref<10240x128xf32, #tpu.memory_space<vmem_shared>> -> memref<10240x128xf32, #tpu.memory_space<vmem_shared>>
        tpu.wait_indirect_dma semaphore(%run_scoped3A : memref<!tpu.dma_semaphore, #tpu.memory_space<semaphore_mem>>) src(%arg9 : memref<128x128xf32, #tpu.memory_space<vmem>>) dst(%dma_wait3A_37 : memref<10240x128xf32, #tpu.memory_space<vmem_shared>>)
        tpu.yield
      }) : () -> ()
    }
    %scan3A_13 = arith.constant 80 : i32
    %barrier3A_14 = arith.constant 0 : index
    tpu.barrier barrier_id(%barrier3A_14)
    %dma_start3A_15 = arith.constant 0 : i32
    %dma_start3A_16 = tpu.memref_slice %arg6[%arg0, %mul3A_2, %dma_start3A_15] : memref<2x10240x128xf32, #tpu.memory_space<hbm>> -> memref<1x640x128xf32, #tpu.memory_space<hbm>>
    %dma_start3A_17 = tpu.memref_squeeze %dma_start3A_16 : memref<1x640x128xf32, #tpu.memory_space<hbm>> -> memref<640x128xf32, #tpu.memory_space<hbm>>
    %dma_start3A_18 = arith.constant 0 : i32
    %dma_start3A_19 = tpu.memref_slice %arg11[%mul3A_2, %dma_start3A_18] : memref<10240x128xf32, #tpu.memory_space<vmem_shared>> -> memref<640x128xf32, #tpu.memory_space<vmem_shared>>
    tpu.enqueue_dma source(%dma_start3A_19 : memref<640x128xf32, #tpu.memory_space<vmem_shared>>) target(%dma_start3A_17 : memref<640x128xf32, #tpu.memory_space<hbm>>) target_semaphore(%arg13 : memref<!tpu.dma_semaphore, #tpu.memory_space<semaphore_mem>>)
    %dma_wait3A_20 = arith.constant 0 : i32
    %dma_wait3A_21 = tpu.memref_slice %arg6[%arg0, %mul3A_2, %dma_wait3A_20] : memref<2x10240x128xf32, #tpu.memory_space<hbm>> -> memref<1x640x128xf32, #tpu.memory_space<hbm>>
    %dma_wait3A_22 = tpu.memref_squeeze %dma_wait3A_21 : memref<1x640x128xf32, #tpu.memory_space<hbm>> -> memref<640x128xf32, #tpu.memory_space<hbm>>
    %dma_wait3A_23 = arith.constant 0 : i32
    %dma_wait3A_24 = tpu.memref_slice %arg11[%mul3A_2, %dma_wait3A_23] : memref<10240x128xf32, #tpu.memory_space<vmem_shared>> -> memref<640x128xf32, #tpu.memory_space<vmem_shared>>
    tpu.wait_dma2 semaphore(%arg13 : memref<!tpu.dma_semaphore, #tpu.memory_space<semaphore_mem>>) src(%dma_wait3A_24 : memref<640x128xf32, #tpu.memory_space<vmem_shared>>) dst(%dma_wait3A_22 : memref<640x128xf32, #tpu.memory_space<hbm>>)
    return
  }
}

module attributes {stable_mosaic.version = 14 : i64} {
  func.func @_mm_body(%arg0: i32, %arg1: memref<640x128xf32, #tpu.memory_space<vmem>>, %arg2: memref<128x128xf32, #tpu.memory_space<vmem>>, %arg3: memref<640x128xf32, #tpu.memory_space<vmem>>) attributes {dimension_semantics = [#tpu.dimension_semantics<arbitrary>], iteration_bounds = array<i64: 16>, scalar_prefetch = 0 : i64, scratch_operands = 0 : i64, tpu.core_type = #tpu.core_type<tc>, window_params = [{transform_indices = @transform_0, window_bounds = array<i64: 640, 128>}, {pipeline_mode = #tpu.pipeline_mode<synchronous>, transform_indices = @transform_1, window_bounds = array<i64: 128, 128>}, {transform_indices = @transform_2, window_bounds = array<i64: 640, 128>}]} {
    %get3A = arith.constant 0 : index
    %get3A_0 = arith.constant 0 : index
    %get3A_1 = vector.load %arg1[%get3A, %get3A_0] : memref<640x128xf32, #tpu.memory_space<vmem>>, vector<640x128xf32>
    %get3A_2 = arith.constant 0 : index
    %get3A_3 = arith.constant 0 : index
    %get3A_4 = vector.load %arg2[%get3A_2, %get3A_3] : memref<128x128xf32, #tpu.memory_space<vmem>>, vector<128x128xf32>
    %dot_general3A = arith.constant dense<0.000000e+00> : vector<640x128xf32>
    %dot_general3A_5 = tpu.matmul %get3A_1, %get3A_4, %dot_general3A {dimension_numbers = #tpu.dot_dimension_numbers<[1], [0], [0], [1], [0, 0, 1, 1], [], []>, transpose_lhs_hint = false} : vector<640x128xf32>, vector<128x128xf32>, vector<640x128xf32> -> vector<640x128xf32>
    %swap3A = arith.constant 0 : index
    %swap3A_6 = arith.constant 0 : index
    %swap3A_7 = vector.load %arg3[%swap3A, %swap3A_6] : memref<640x128xf32, #tpu.memory_space<vmem>>, vector<640x128xf32>
    tpu.vector_store %arg3[%swap3A, %swap3A_6], %dot_general3A_5 {strides = array<i32>} : memref<640x128xf32, #tpu.memory_space<vmem>>, vector<640x128xf32>,
    return
  }
  func.func @transform_0(%arg0: i32) -> (i32, i32) {
    %c0_i32 = arith.constant 0 : i32
    %c0_i32_0 = arith.constant 0 : i32
    return %arg0, %c0_i32 : i32, i32
  }
  func.func @transform_1(%arg0: i32) -> (i32, i32) {
    %c0_i32 = arith.constant 0 : i32
    %c0_i32_0 = arith.constant 0 : i32
    %c0_i32_1 = arith.constant 0 : i32
    return %c0_i32, %c0_i32_0 : i32, i32
  }
  func.func @transform_2(%arg0: i32) -> (i32, i32) {
    %c0_i32 = arith.constant 0 : i32
    %c0_i32_0 = arith.constant 0 : i32
    return %arg0, %c0_i32 : i32, i32
  }
}

module attributes {stable_mosaic.version = 14 : i64} {
  func.func @_scale_body(%arg0: i32, %arg1: memref<640x128xf32, #tpu.memory_space<vmem>>, %arg2: memref<2x640x16xf32, #tpu.memory_space<vmem>>, %arg3: memref<640x128xf32, #tpu.memory_space<vmem>>) attributes {dimension_semantics = [#tpu.dimension_semantics<arbitrary>], iteration_bounds = array<i64: 16>, scalar_prefetch = 0 : i64, scratch_operands = 0 : i64, tpu.core_type = #tpu.core_type<tc>, window_params = [{transform_indices = @transform_0, window_bounds = array<i64: 640, 128>}, {transform_indices = @transform_1, window_bounds = array<i64: 2, 640, 16>}, {transform_indices = @transform_2, window_bounds = array<i64: 640, 128>}]} {
    %get3A = arith.constant 0 : index
    %get3A_0 = arith.constant 0 : index
    %get3A_1 = vector.load %arg1[%get3A, %get3A_0] : memref<640x128xf32, #tpu.memory_space<vmem>>, vector<640x128xf32>
    %get3A_2 = arith.constant 0 : index
    %get3A_3 = arith.constant 0 : index
    %get3A_4 = arith.constant 0 : index
    %get3A_5 = vector.load %arg2[%get3A_2, %get3A_3, %get3A_4] : memref<2x640x16xf32, #tpu.memory_space<vmem>>, vector<1x640x1xf32>
    %get3A_6 = vector.shape_cast %get3A_5 : vector<1x640x1xf32> to vector<640x1xf32>
    %get3A_7 = arith.constant 1 : index
    %get3A_8 = arith.constant 0 : index
    %get3A_9 = arith.constant 0 : index
    %get3A_10 = vector.load %arg2[%get3A_7, %get3A_8, %get3A_9] : memref<2x640x16xf32, #tpu.memory_space<vmem>>, vector<1x640x1xf32>
    %get3A_11 = vector.shape_cast %get3A_10 : vector<1x640x1xf32> to vector<640x1xf32>
    %add3A = arith.addf %get3A_6, %get3A_11 : vector<640x1xf32>
    %add3A_12 = arith.constant 1.000000e+00 : f32
    %add3A_13 = vector.broadcast %add3A_12 : f32 to vector<640x1xf32>
    %add3A_14 = arith.addf %add3A, %add3A_13 : vector<640x1xf32>
    %rsqrt3A = math.rsqrt %add3A_14 : vector<640x1xf32>
    %mul3A = vector.broadcast %rsqrt3A : vector<640x1xf32> to vector<640x128xf32>
    %mul3A_15 = arith.mulf %get3A_1, %mul3A : vector<640x128xf32>
    %swap3A = arith.constant 0 : index
    %swap3A_16 = arith.constant 0 : index
    %swap3A_17 = vector.load %arg3[%swap3A, %swap3A_16] : memref<640x128xf32, #tpu.memory_space<vmem>>, vector<640x128xf32>
    tpu.vector_store %arg3[%swap3A, %swap3A_16], %mul3A_15 {strides = array<i32>} : memref<640x128xf32, #tpu.memory_space<vmem>>, vector<640x128xf32>,
    return
  }
  func.func @transform_0(%arg0: i32) -> (i32, i32) {
    %c0_i32 = arith.constant 0 : i32
    %c0_i32_0 = arith.constant 0 : i32
    return %arg0, %c0_i32 : i32, i32
  }
  func.func @transform_1(%arg0: i32) -> (i32, i32, i32) {
    %c0_i32 = arith.constant 0 : i32
    %c0_i32_0 = arith.constant 0 : i32
    %c0_i32_1 = arith.constant 0 : i32
    return %c0_i32, %arg0, %c0_i32_0 : i32, i32, i32
  }
  func.func @transform_2(%arg0: i32) -> (i32, i32) {
    %c0_i32 = arith.constant 0 : i32
    %c0_i32_0 = arith.constant 0 : i32
    return %arg0, %c0_i32 : i32, i32
  }
}

module attributes {stable_mosaic.version = 14 : i64} {
  func.func @_mid_body(%arg0: i32, %arg1: memref<2x640x128xf32, #tpu.memory_space<vmem>>, %arg2: memref<640x128xf32, #tpu.memory_space<vmem>>, %arg3: memref<2x640x16xf32, #tpu.memory_space<vmem>>, %arg4: memref<1x128xf32, #tpu.memory_space<vmem>>, %arg5: memref<128x128xf32, #tpu.memory_space<vmem>>, %arg6: memref<640x128xf32, #tpu.memory_space<vmem>>) attributes {dimension_semantics = [#tpu.dimension_semantics<arbitrary>], iteration_bounds = array<i64: 16>, scalar_prefetch = 0 : i64, scratch_operands = 0 : i64, tpu.core_type = #tpu.core_type<tc>, window_params = [{transform_indices = @transform_0, window_bounds = array<i64: 2, 640, 128>}, {transform_indices = @transform_1, window_bounds = array<i64: 640, 128>}, {transform_indices = @transform_2, window_bounds = array<i64: 2, 640, 16>}, {pipeline_mode = #tpu.pipeline_mode<synchronous>, transform_indices = @transform_3, window_bounds = array<i64: 1, 128>}, {pipeline_mode = #tpu.pipeline_mode<synchronous>, transform_indices = @transform_4, window_bounds = array<i64: 128, 128>}, {transform_indices = @transform_5, window_bounds = array<i64: 640, 128>}]} {
    %get3A = arith.constant 0 : index
    %get3A_0 = arith.constant 0 : index
    %get3A_1 = arith.constant 0 : index
    %get3A_2 = vector.load %arg3[%get3A, %get3A_0, %get3A_1] : memref<2x640x16xf32, #tpu.memory_space<vmem>>, vector<1x640x1xf32>
    %get3A_3 = vector.shape_cast %get3A_2 : vector<1x640x1xf32> to vector<640x1xf32>
    %get3A_4 = arith.constant 1 : index
    %get3A_5 = arith.constant 0 : index
    %get3A_6 = arith.constant 0 : index
    %get3A_7 = vector.load %arg3[%get3A_4, %get3A_5, %get3A_6] : memref<2x640x16xf32, #tpu.memory_space<vmem>>, vector<1x640x1xf32>
    %get3A_8 = vector.shape_cast %get3A_7 : vector<1x640x1xf32> to vector<640x1xf32>
    %add3A = arith.addf %get3A_3, %get3A_8 : vector<640x1xf32>
    %add3A_9 = arith.constant 1.000000e+00 : f32
    %add3A_10 = vector.broadcast %add3A_9 : f32 to vector<640x1xf32>
    %add3A_11 = arith.addf %add3A, %add3A_10 : vector<640x1xf32>
    %rsqrt3A = math.rsqrt %add3A_11 : vector<640x1xf32>
    %get3A_12 = arith.constant 0 : index
    %get3A_13 = arith.constant 0 : index
    %get3A_14 = arith.constant 0 : index
    %get3A_15 = vector.load %arg1[%get3A_12, %get3A_13, %get3A_14] : memref<2x640x128xf32, #tpu.memory_space<vmem>>, vector<1x640x128xf32>
    %get3A_16 = vector.shape_cast %get3A_15 : vector<1x640x128xf32> to vector<640x128xf32>
    %get3A_17 = arith.constant 1 : index
    %get3A_18 = arith.constant 0 : index
    %get3A_19 = arith.constant 0 : index
    %get3A_20 = vector.load %arg1[%get3A_17, %get3A_18, %get3A_19] : memref<2x640x128xf32, #tpu.memory_space<vmem>>, vector<1x640x128xf32>
    %get3A_21 = vector.shape_cast %get3A_20 : vector<1x640x128xf32> to vector<640x128xf32>
    %add3A_22 = arith.addf %get3A_16, %get3A_21 : vector<640x128xf32>
    %get3A_23 = arith.constant 0 : index
    %get3A_24 = arith.constant 0 : index
    %get3A_25 = vector.load %arg2[%get3A_23, %get3A_24] : memref<640x128xf32, #tpu.memory_space<vmem>>, vector<640x128xf32>
    %add3A_26 = arith.addf %add3A_22, %get3A_25 : vector<640x128xf32>
    %mul3A = vector.broadcast %rsqrt3A : vector<640x1xf32> to vector<640x128xf32>
    %mul3A_27 = arith.mulf %add3A_26, %mul3A : vector<640x128xf32>
    %get3A_28 = arith.constant 0 : index
    %get3A_29 = arith.constant 0 : index
    %get3A_30 = vector.load %arg4[%get3A_28, %get3A_29] : memref<1x128xf32, #tpu.memory_space<vmem>>, vector<1x128xf32>
    %add3A_31 = vector.broadcast %get3A_30 : vector<1x128xf32> to vector<640x128xf32>
    %add3A_32 = arith.addf %mul3A_27, %add3A_31 : vector<640x128xf32>
    %max3A = arith.constant 0.000000e+00 : f32
    %max3A_33 = vector.broadcast %max3A : f32 to vector<640x128xf32>
    %max3A_34 = arith.maximumf %add3A_32, %max3A_33 : vector<640x128xf32>
    %get3A_35 = arith.constant 0 : index
    %get3A_36 = arith.constant 0 : index
    %get3A_37 = vector.load %arg5[%get3A_35, %get3A_36] : memref<128x128xf32, #tpu.memory_space<vmem>>, vector<128x128xf32>
    %dot_general3A = arith.constant dense<0.000000e+00> : vector<640x128xf32>
    %dot_general3A_38 = tpu.matmul %max3A_34, %get3A_37, %dot_general3A {dimension_numbers = #tpu.dot_dimension_numbers<[1], [0], [0], [1], [0, 0, 1, 1], [], []>, transpose_lhs_hint = false} : vector<640x128xf32>, vector<128x128xf32>, vector<640x128xf32> -> vector<640x128xf32>
    %mul3A_39 = vector.broadcast %rsqrt3A : vector<640x1xf32> to vector<640x128xf32>
    %mul3A_40 = arith.mulf %dot_general3A_38, %mul3A_39 : vector<640x128xf32>
    %swap3A = arith.constant 0 : index
    %swap3A_41 = arith.constant 0 : index
    %swap3A_42 = vector.load %arg6[%swap3A, %swap3A_41] : memref<640x128xf32, #tpu.memory_space<vmem>>, vector<640x128xf32>
    tpu.vector_store %arg6[%swap3A, %swap3A_41], %mul3A_40 {strides = array<i32>} : memref<640x128xf32, #tpu.memory_space<vmem>>, vector<640x128xf32>,
    return
  }
  func.func @transform_0(%arg0: i32) -> (i32, i32, i32) {
    %c0_i32 = arith.constant 0 : i32
    %c0_i32_0 = arith.constant 0 : i32
    %c0_i32_1 = arith.constant 0 : i32
    return %c0_i32, %arg0, %c0_i32_0 : i32, i32, i32
  }
  func.func @transform_1(%arg0: i32) -> (i32, i32) {
    %c0_i32 = arith.constant 0 : i32
    %c0_i32_0 = arith.constant 0 : i32
    return %arg0, %c0_i32 : i32, i32
  }
  func.func @transform_2(%arg0: i32) -> (i32, i32, i32) {
    %c0_i32 = arith.constant 0 : i32
    %c0_i32_0 = arith.constant 0 : i32
    %c0_i32_1 = arith.constant 0 : i32
    return %c0_i32, %arg0, %c0_i32_0 : i32, i32, i32
  }
  func.func @transform_3(%arg0: i32) -> (i32, i32) {
    %c0_i32 = arith.constant 0 : i32
    %c0_i32_0 = arith.constant 0 : i32
    %c0_i32_1 = arith.constant 0 : i32
    return %c0_i32, %c0_i32_0 : i32, i32
  }
  func.func @transform_4(%arg0: i32) -> (i32, i32) {
    %c0_i32 = arith.constant 0 : i32
    %c0_i32_0 = arith.constant 0 : i32
    %c0_i32_1 = arith.constant 0 : i32
    return %c0_i32, %c0_i32_0 : i32, i32
  }
  func.func @transform_5(%arg0: i32) -> (i32, i32) {
    %c0_i32 = arith.constant 0 : i32
    %c0_i32_0 = arith.constant 0 : i32
    return %arg0, %c0_i32 : i32, i32
  }
}

module attributes {stable_mosaic.version = 14 : i64} {
  func.func @_fin_body(%arg0: i32, %arg1: memref<2x640x128xf32, #tpu.memory_space<vmem>>, %arg2: memref<640x128xf32, #tpu.memory_space<vmem>>, %arg3: memref<2x640x16xf32, #tpu.memory_space<vmem>>, %arg4: memref<1x128xf32, #tpu.memory_space<vmem>>, %arg5: memref<640x128xf32, #tpu.memory_space<vmem>>) attributes {dimension_semantics = [#tpu.dimension_semantics<arbitrary>], iteration_bounds = array<i64: 16>, scalar_prefetch = 0 : i64, scratch_operands = 0 : i64, tpu.core_type = #tpu.core_type<tc>, window_params = [{transform_indices = @transform_0, window_bounds = array<i64: 2, 640, 128>}, {transform_indices = @transform_1, window_bounds = array<i64: 640, 128>}, {transform_indices = @transform_2, window_bounds = array<i64: 2, 640, 16>}, {pipeline_mode = #tpu.pipeline_mode<synchronous>, transform_indices = @transform_3, window_bounds = array<i64: 1, 128>}, {transform_indices = @transform_4, window_bounds = array<i64: 640, 128>}]} {
    %get3A = arith.constant 0 : index
    %get3A_0 = arith.constant 0 : index
    %get3A_1 = arith.constant 0 : index
    %get3A_2 = vector.load %arg1[%get3A, %get3A_0, %get3A_1] : memref<2x640x128xf32, #tpu.memory_space<vmem>>, vector<1x640x128xf32>
    %get3A_3 = vector.shape_cast %get3A_2 : vector<1x640x128xf32> to vector<640x128xf32>
    %get3A_4 = arith.constant 1 : index
    %get3A_5 = arith.constant 0 : index
    %get3A_6 = arith.constant 0 : index
    %get3A_7 = vector.load %arg1[%get3A_4, %get3A_5, %get3A_6] : memref<2x640x128xf32, #tpu.memory_space<vmem>>, vector<1x640x128xf32>
    %get3A_8 = vector.shape_cast %get3A_7 : vector<1x640x128xf32> to vector<640x128xf32>
    %add3A = arith.addf %get3A_3, %get3A_8 : vector<640x128xf32>
    %get3A_9 = arith.constant 0 : index
    %get3A_10 = arith.constant 0 : index
    %get3A_11 = vector.load %arg2[%get3A_9, %get3A_10] : memref<640x128xf32, #tpu.memory_space<vmem>>, vector<640x128xf32>
    %add3A_12 = arith.addf %add3A, %get3A_11 : vector<640x128xf32>
    %get3A_13 = arith.constant 0 : index
    %get3A_14 = arith.constant 0 : index
    %get3A_15 = arith.constant 0 : index
    %get3A_16 = vector.load %arg3[%get3A_13, %get3A_14, %get3A_15] : memref<2x640x16xf32, #tpu.memory_space<vmem>>, vector<1x640x1xf32>
    %get3A_17 = vector.shape_cast %get3A_16 : vector<1x640x1xf32> to vector<640x1xf32>
    %get3A_18 = arith.constant 1 : index
    %get3A_19 = arith.constant 0 : index
    %get3A_20 = arith.constant 0 : index
    %get3A_21 = vector.load %arg3[%get3A_18, %get3A_19, %get3A_20] : memref<2x640x16xf32, #tpu.memory_space<vmem>>, vector<1x640x1xf32>
    %get3A_22 = vector.shape_cast %get3A_21 : vector<1x640x1xf32> to vector<640x1xf32>
    %add3A_23 = arith.addf %get3A_17, %get3A_22 : vector<640x1xf32>
    %add3A_24 = arith.constant 1.000000e+00 : f32
    %add3A_25 = vector.broadcast %add3A_24 : f32 to vector<640x1xf32>
    %add3A_26 = arith.addf %add3A_23, %add3A_25 : vector<640x1xf32>
    %rsqrt3A = math.rsqrt %add3A_26 : vector<640x1xf32>
    %mul3A = vector.broadcast %rsqrt3A : vector<640x1xf32> to vector<640x128xf32>
    %mul3A_27 = arith.mulf %add3A_12, %mul3A : vector<640x128xf32>
    %get3A_28 = arith.constant 0 : index
    %get3A_29 = arith.constant 0 : index
    %get3A_30 = vector.load %arg4[%get3A_28, %get3A_29] : memref<1x128xf32, #tpu.memory_space<vmem>>, vector<1x128xf32>
    %add3A_31 = vector.broadcast %get3A_30 : vector<1x128xf32> to vector<640x128xf32>
    %add3A_32 = arith.addf %mul3A_27, %add3A_31 : vector<640x128xf32>
    %swap3A = arith.constant 0 : index
    %swap3A_33 = arith.constant 0 : index
    %swap3A_34 = vector.load %arg5[%swap3A, %swap3A_33] : memref<640x128xf32, #tpu.memory_space<vmem>>, vector<640x128xf32>
    tpu.vector_store %arg5[%swap3A, %swap3A_33], %add3A_32 {strides = array<i32>} : memref<640x128xf32, #tpu.memory_space<vmem>>, vector<640x128xf32>,
    return
  }
  func.func @transform_0(%arg0: i32) -> (i32, i32, i32) {
    %c0_i32 = arith.constant 0 : i32
    %c0_i32_0 = arith.constant 0 : i32
    %c0_i32_1 = arith.constant 0 : i32
    return %c0_i32, %arg0, %c0_i32_0 : i32, i32, i32
  }
  func.func @transform_1(%arg0: i32) -> (i32, i32) {
    %c0_i32 = arith.constant 0 : i32
    %c0_i32_0 = arith.constant 0 : i32
    return %arg0, %c0_i32 : i32, i32
  }
  func.func @transform_2(%arg0: i32) -> (i32, i32, i32) {
    %c0_i32 = arith.constant 0 : i32
    %c0_i32_0 = arith.constant 0 : i32
    %c0_i32_1 = arith.constant 0 : i32
    return %c0_i32, %arg0, %c0_i32_0 : i32, i32, i32
  }
  func.func @transform_3(%arg0: i32) -> (i32, i32) {
    %c0_i32 = arith.constant 0 : i32
    %c0_i32_0 = arith.constant 0 : i32
    %c0_i32_1 = arith.constant 0 : i32
    return %c0_i32, %c0_i32_0 : i32, i32
  }
  func.func @transform_4(%arg0: i32) -> (i32, i32) {
    %c0_i32 = arith.constant 0 : i32
    %c0_i32_0 = arith.constant 0 : i32
    return %arg0, %c0_i32 : i32, i32
  }
}

</mosaic_0001>

<sc_bundles>
// kernel: kernel.12.cloned.1.call-start
scs
__scs_entry_jumppad:
0x0: {  	(pc) =	sbr.rel $0x88, $3  }
0x1: {  	(tag) =	ssettag $0x0;
	lr =	simm.s32 $0x1  }
0x2: {  	[smem:$0x3F9B] =	sst lr;
	_ =	strace $0xD0000000  }
0x3: {  	_ = 	snop  }
0x4: {  	_ = 	snop  }
0x5: {  	_ = 	snop  }
0x6: {  	_ = 	snop  }
0x7: {  	_ = 	snop  }
__scs_overlays_trampoline_lowered:
0x8: {  	[smem:$0x3FAA] =	sst s0  }
0x9: {  	[smem:$0x3FAB] =	sst s1  }
0xa: {  	[smem:$0x3FAC] =	sst s2  }
0xb: {  	[smem:$0x3FAD] =	sst s3  }
0xc: {  	[smem:$0x3FAE] =	sst s4  }
0xd: {  	[smem:$0x3FAF] =	sst s5  }
0xe: {  	[smem:$0x3FB0] =	sst s6  }
0xf: {  	[smem:$0x3FB1] =	sst s7  }
0x10: {  	[smem:$0x3FB2] =	sst s8  }
0x11: {  	[smem:$0x3FB3] =	sst s9;
	s0 =	simm.s32 @!p0 $0x0  }
0x12: {  	s1 =	sld [smem:$0x3F99];
	s0 =	simm.s32 @p0 $0x1  }
0x13: {  	[smem:$0x3FB4] =	sst s0;
	s0 =	simm.s32 @!p1 $0x0  }
0x14: {  	s2 =	sld [smem:$0x3F98];
	s0 =	simm.s32 @p1 $0x1  }
0x15: {  	[smem:$0x3FB5] =	sst s0;
	s0 =	simm.s32 @!p2 $0x0  }
0x16: {  	s3 =	sld [smem:$0x3FDB];
	s0 =	simm.s32 @p2 $0x1  }
0x17: {  	s4 =	simm.s32 $0x1BF5;
	[smem:$0x3FB7] =	sst s0  }
0x18: {  	s0 =	sld [smem:$0x3F9A];
	_ =	swait.ge [sflag:s4], $0x0  }
0x19: {  	s7 =	sld [smem:$0x3F9B]  }
0x1a: {  	s8 =	sadd.s32 $0xFFFFE003, lr  }
0x1b: {  	s9 =	sadd.s32 $0xFFFFFEF7, lr;
	s5 =	simm.s32 $0xFFFFFFFF;
	p2 =	slt.u32 s8, $0xFFFFF086  }
0x1c: {  	p1 =	slt.u32 s9, $0xF7A;
	s5 =	simm.s32 @!p2 $0x0  }
0x1d: {  	s5 =	simm.s32 @p1 $0x1;
	p0 =	seq.s32 s7, s2  }
0x1e: {  	s7 =	smul.u32 @!p0 $0xF7A, s2;
	p2 =	seq.s32 @!p0 s5, $0x0  }
0x1f: {  	s9 =	smul.u32 $0xF7A, s1;
	s8 =	simm.s32 @!p0 $0x1BF5;
	p2 =	por !p2, p0  }
0x20: {  	[sflag:s8] =	ssyncset.s32 @!p0 $0xFFFFF086;
	s6 =	sadd.s32 @!p0 s3, s7;
	s7 =	simm.s32 @!p0 $0x108  }
0x21: {  	s3 =	sadd.s32 s3, s9;
	s6 =	sadd.s32 @!p0 $0x88, s6;
	s7 =	simm.s32 @p2 $0x1082  }
0x22: {  	[simem:s7], [sflag:s8] =	dma.local @!p0 [hbm:s6], $0xF7A  }
0x23: {  	s9 =	sor.u32 $0xD0000000, s2;
	s6 =	simm.s32 $0x108;
	_ =	swait.ge @!p0 [sflag:s8], $0x0  }
0x24: {  	s3 =	sadd.s32 $0x88, s3;
	s6 =	simm.s32 @!p1 $0x1082;
	[sflag:s4] =	ssyncset.s32 $0xFFFFF086  }
0x25: {  	[simem:s6], [sflag:s4] =	dma.local [hbm:s3], $0xF7A  }
0x26: {  	[smem:$0x3F9B] =	sst s1;
	(tag) =	ssettag s2;
	_ =	strace s9  }
0x27: {  	s1 =	sld [smem:$0x3FAB]  }
0x28: {  	s2 =	sld [smem:$0x3FAC]  }
0x29: {  	s4 =	sld [smem:$0x3FAE]  }
0x2a: {  	p0 =	seq.s32 s5, $0x0;
	s5 =	sld [smem:$0x3FAF]  }
0x2b: {  	s6 =	sld [smem:$0x3FB0]  }
0x2c: {  	s7 =	sld [smem:$0x3FB1]  }
0x2d: {  	s3 =	simm.s32 $0x108;
	s8 =	sld [smem:$0x3FB2]  }
0x2e: {  	s3 =	simm.s32 @!p0 $0x1082;
	s9 =	sld [smem:$0x3FB3]  }
0x2f: {  	lr =	sadd.s32 s0, s3;
	s0 =	sld [smem:$0x3FAA]  }
0x30: {  	s3 =	sld [smem:$0x3FAD]  }
0x31: {  	[smem:$0x3FB6] =	sst s10  }
0x32: {  	s10 =	sld [smem:$0x3FB4];
	_ =	sdelay $0x3  }
0x33: {  	p0 =	seq.s32 s10, $0x1;
	s10 =	sld [smem:$0x3FB6];
	_ =	sdelay $0x3  }
0x34: {  	[smem:$0x3FB6] =	sst s10  }
0x35: {  	s10 =	sld [smem:$0x3FB5];
	_ =	sdelay $0x3  }
0x36: {  	p1 =	seq.s32 s10, $0x1;
	s10 =	sld [smem:$0x3FB6];
	_ =	sdelay $0x3  }
0x37: {  	[smem:$0x3FB6] =	sst s10  }
0x38: {  	s10 =	sld [smem:$0x3FB7]  }
0x39: {  	_ = 	snop;
	(pc) =	sbr.ind lr, $3  }
0x3a: {  	_ = 	snop  }
0x3b: {  	_ = 	snop  }
0x3c: {  	p2 =	seq.s32 s10, $0x1;
	s10 =	sld [smem:$0x3FB6]  }
0x3d: {  	_ =	shalt  }
0x3e: {  	_ =	shalt  }
0x3f: {  	_ =	shalt  }
0x40: {  	_ =	shalt  }
0x41: {  	_ =	shalt  }
0x42: {  	_ =	shalt  }
0x43: {  	_ =	shalt  }
0x44: {  	_ =	shalt  }
0x45: {  	_ =	shalt  }
0x46: {  	_ =	shalt  }
0x47: {  	_ =	shalt  }
0x48: {  	_ =	shalt  }
0x49: {  	_ =	shalt  }
0x4a: {  	_ =	shalt  }
0x4b: {  	_ =	shalt  }
0x4c: {  	_ =	shalt  }
0x4d: {  	_ =	shalt  }
0x4e: {  	_ =	shalt  }
0x4f: {  	_ =	shalt  }
0x50: {  	_ =	shalt  }
0x51: {  	_ =	shalt  }
0x52: {  	_ =	shalt  }
0x53: {  	_ =	shalt  }
0x54: {  	_ =	shalt  }
0x55: {  	_ =	shalt  }
0x56: {  	_ =	shalt  }
0x57: {  	_ =	shalt  }
0x58: {  	_ =	shalt  }
0x59: {  	_ =	shalt  }
0x5a: {  	_ =	shalt  }
0x5b: {  	_ =	shalt  }
0x5c: {  	_ =	shalt  }
0x5d: {  	_ =	shalt  }
0x5e: {  	_ =	shalt  }
0x5f: {  	_ =	shalt  }
0x60: {  	_ =	shalt  }
0x61: {  	_ =	shalt  }
0x62: {  	_ =	shalt  }
0x63: {  	_ =	shalt  }
0x64: {  	_ =	shalt  }
0x65: {  	_ =	shalt  }
0x66: {  	_ =	shalt  }
0x67: {  	_ =	shalt  }
0x68: {  	_ =	shalt  }
0x69: {  	_ =	shalt  }
0x6a: {  	_ =	shalt  }
0x6b: {  	_ =	shalt  }
0x6c: {  	_ =	shalt  }
0x6d: {  	_ =	shalt  }
0x6e: {  	_ =	shalt  }
0x6f: {  	_ =	shalt  }
0x70: {  	_ =	shalt  }
0x71: {  	_ =	shalt  }
0x72: {  	_ =	shalt  }
0x73: {  	_ =	shalt  }
0x74: {  	_ =	shalt  }
0x75: {  	_ =	shalt  }
0x76: {  	_ =	shalt  }
0x77: {  	_ =	shalt  }
0x78: {  	_ =	shalt  }
0x79: {  	_ =	shalt  }
0x7a: {  	_ =	shalt  }
0x7b: {  	_ =	shalt  }
0x7c: {  	_ =	shalt  }
0x7d: {  	_ =	shalt  }
0x7e: {  	_ =	shalt  }
0x7f: {  	_ =	shalt  }
0x80: {  	_ =	shalt  }
0x81: {  	_ =	shalt  }
0x82: {  	_ =	shalt  }
0x83: {  	_ =	shalt  }
0x84: {  	_ =	shalt  }
0x85: {  	_ =	shalt  }
0x86: {  	_ =	shalt  }
0x87: {  	_ =	shalt  }
.Lfunc_end0:
.L_simem_size_0:
called_computation.1_lowered:
.L_overlay_start_0:
0x88: {  	s2 =	sld [smem:$0x3FD9]  }
0x89: {  	s3 =	sld [smem:$0x3FFE];
	_ =	sdelay $0x1  }
0x8a: {  	s1 =	srdreg.scid  }
0x8b: {  	s0 =	sand.u32 $0x1, s1  }
0x8c: {  	s17 =	sshll.u32 s0, $0xA;
	s2 =	sadd.s32 s3, s2  }
0x8d: {  	s2 =	sadd.s32 s2, s17  }
0x8e: {  	[smem:$0x3FC2] =	sst s2  }
0x8f: {  	_ = 	snop  }
0x90: {  	s2 =	sld [smem:$0x3FD0];
	(tm) =	ssettm $0x1  }
0x91: {  	s18 =	sld [smem:$0x3FFB];
	_ =	sdelay $0x3  }
0x92: {  	_ =	strace s18  }
0x93: {  	s3 =	sld [smem:$0x3FFC];
	_ =	sdelay $0x3  }
0x94: {  	_ =	strace s3  }
0x95: {  	s3 =	sld [smem:$0x3FFD];
	_ =	sdelay $0x3  }
0x96: {  	_ =	strace s3  }
0x97: {  	_ =	strace $0x8FFFFFFF  }
0x98: {  	s19 =	sld [smem:$0x3FDB];
	_ =	sdelay $0x1  }
0x99: {  	s4 =	simm.s32 $_scs_section_size  }
0x9a: {  	s5 =	simm.s32 $_size__tile_overlayer_lowered;
	s6 =	simm.s32 $_tile_overlayer_lowered  }
0x9b: {  	s22 =	simm.s32 $0x1BFF;
	s21 =	sshll.u32 s6, $0x1;
	s3 =	sadd.s32 s4, s19  }
0x9c: {  	s7 =	simm.s32 $0x0;
	s20 =	sshll.u32 s5, $0x1;
	s5 =	sadd.s32 s21, s3  }
0x9d: {  	[timem:s7], [sflag:s22] =	dma.local [hbm:s5], s20  }
0x9e: {  	_ =	swait.ge [sflag:s22], s20  }
0x9f: {  	s4 =	ssub.s32 $0x0, s20;
	[sflag:s22] =	ssyncset.done $0x0  }
0xa0: {  	[sflag:s22] =	ssyncadd.s32 s4;
	_ =	sdelay $0x1  }
0xa1: {  	s23 =	simm.s32 $0x1B8B  }
0xa2: {  	_ =	swait.ge [sflag:s23], $0x1  }
0xa3: {  	[sflag:s23] =	ssyncset.done $0x0  }
0xa4: {  	s25 =	simm.s32 $0x1B8E;
	s24 =	sld [smem:$0x3FFE];
	[sflag:s23] =	ssyncadd.s32 $0xFFFFFFFF  }
0xa5: {  	s26 =	simm.s32 $execute0_lowered;
	[smem:$0x3FD2] =	sst s25  }
0xa6: {  	s5 =	sshll.u32 s26, $0x1;
	_ =	strace $0x80000049;
	[dreg:$0x1] =	wrdreg $0xFFFFFFFF  }
0xa7: {  	s28 =	simm.s32 $_size_execute0_lowered;
	s3 =	sadd.s32 s3, s5;
	[dreg:$0x0] =	wrdreg $0x0  }
0xa8: {  	s5 =	sshll.u32 s28, $0x1;
	[dreg:$0x2] =	wrdreg s3  }
0xa9: {  	[dreg:$0x3] =	wrdreg s5  }
0xaa: {  	[dreg:$0x4] =	wrdreg $0xC0  }
0xab: {  	_ =	task [dreg:s7], $0x5FFFF  }
0xac: {  	[dreg:$0x1] =	wrdreg $0xFFFFFFFF  }
0xad: {  	[dreg:$0x0] =	wrdreg $0x60  }
0xae: {  	[dreg:$0x2] =	wrdreg s24  }
0xaf: {  	[dreg:$0x3] =	wrdreg s2  }
0xb0: {  	[dreg:$0x4] =	wrdreg $0x41000  }
0xb1: {  	[dreg:$0x5] =	wrdreg $0x9  }
0xb2: {  	_ =	task.clear_ibuf [dreg:s7], $0x6FFFF;
	_ =	strace $0x90000049  }
0xb3: {  	s29 =	simm.s32 $0x9;
	_ =	strace $0x8000004B  }
0xb4: {  	_ =	swait.ge [sflag:s29], $0x1  }
0xb5: {  	[sflag:s29] =	ssyncadd.s32 $0xFFFFFFFF  }
0xb6: {  	_ =	strace $0x9000004B  }
0xb7: {  	_ =	sfence  }
0xb8: {  	s30 =	sld [smem:$0x0];
	_ =	sdelay $0x2  }
0xb9: {  	s31 =	sshll.u32 s1, $0xD;
	s1 =	sshrl.u32 s1, $0x2  }
0xba: {  	s3 =	sand.u32 $0x4000, s31;
	s1 =	sadd.s32 s1, s30  }
0xbb: {  	s0 =	sor.u32 s3, s0;
	s1 =	sshll.u32 s1, $0x11  }
0xbc: {  	s0 =	sor.u32 s1, s0  }
0xbd: {  	s0 =	sadd.s32 $0x8F2B, s0  }
0xbe: {  	[sflag:s0] =	ssyncadd.remote.s32 $0x1  }
0xbf: {  	_ =	sfence.sel $0xFFFF  }
0xc0: {  	[dreg:$0x0] =	wrdreg $0xFFFFFFFF;
	(pc) =	sbr.abs _section_cstart, $3  }
0xc1: {  	[dreg:$0x1] =	wrdreg $0xFFFFFFFF  }
0xc2: {  	_ =	task.clear_ibuf [dreg:s7], $0x2FFFF;
	_ =	strace $0x9FFFFFFF  }
0xc3: {  	(tm) =	ssettm $0x7FFFFFFF  }
tec
execute0_lowered:
.L_overlay_start_1:
0x0: {  	(tag) =	ssettag $0x1  }
0x1: {  	s7 =	rddreg [dreg:$0x0]  }
0x2: {  	s2 =	rddreg [dreg:$0x1]  }
0x3: {  	s3 =	rddreg [dreg:$0x2]  }
0x4: {  	s0 =	rddreg [dreg:$0x3]  }
0x5: {  	s1 =	stileid.u32;
	s5 =	srdreg.scid;
	s4 =	simm.s32 $0x0  }
0x6: {  	s15 =	simm.s32 $0x80;
	s16 =	simm.s32 $0x100;
	s17 =	simm.s32 $0x1  }
0x7: {  	s18 =	simm.s32 $0x0;
	s6 =	smul.u32 $0x14000, s1;
	s8 =	sand.u32 $0x1, s5  }
0x8: {  	[smem:$0x7FF] =	sst s4;
	s5 =	sadd.s32 $0x2200, s7;
	s12 =	smul.u32 $0x50000, s1  }
0x9: {  	s28 =	sshll.u32 s1, $0x1;
	s31 =	sshll.u32 s1, $0x6;
	s9 =	smul.u32 $0x140000, s8  }
0xa: {  	_ =	strace $0x8000004A;
	s11 =	ssub.s32 $0x2, s8;
	s30 =	sor.u32 s8, s28  }
0xb: {  	s8 =	sor.u32 $0x1C02, s31;
	s10 =	sshrl.u32 s6, $0x3;
	s26 =	sshrl.u32 s11, $0x1  }
0xc: {  	s29 =	sshrl.u32 s12, $0x2;
	s10 =	sadd.s32 s10, s7;
	s6 =	sadd.s32 s6, s9  }
0xd: {  	s11 =	ssub.s32 s11, s26;
	s14 =	sadd.s32 s29, s3;
	s9 =	sshrl.u32 s6, $0x3  }
0xe: {  	s6 =	sadd.s32 $0x7A200, s7;
	s11 =	smax.u32 s11, $0x1;
	s12 =	sshrl.u32 s14, $0x3  }
0xf: {  	s14 =	simm.s32 $0x3;
	s13 =	sadd.s32 s9, s7;
	s7 =	sadd.s32 $0x84200, s10  }
0x10: {  	s9 =	smul.u32 $0x2800, s30;
	s10 =	sadd.s32 $0xAC200, s13;
	s13 =	simm.s32 $0x2  }
.LBB2_1:
0x11: {  	[spmem:s12], [sflag:s8] =	dma.local [hbm:s7], $0x2800  }
0x12: {  	s19 =	sand.u32 $0x3C00, s4  }
0x13: {  	s20 =	sand.u32 $0x380, s4;
	_ =	swait.ge [sflag:s13], $0x2800;
	s19 =	sadd.s32 s9, s19  }
0x14: {  	[sflag:s13] =	ssyncset.done $0x0;
	s19 =	sor.u32 s20, s19  }
0x15: {  	[sflag:s13] =	ssyncadd.s32 $0xFFFFD800;
	s19 =	sshrl.u32 s19, $0x3  }
0x16: {  	[bflag:$0x0] =	sbarrier.arrive $0xFFFF;
	s29 =	sadd.s32 s6, s19  }
0x17: {  	[tilespmem:s4], [sflag:$0x3] =	stream.linear.gather [hbm4b:s29+s4], $0x80, $0x38;
	[tilespmem:$0x18100] =	vst v63  }
0x18: {  	_ =	swait.ge [sflag:s14], $0x80  }
0x19: {  	[sflag:s14] =	ssyncset.done $0x0  }
0x1a: {  	s19 =	sadd.s32 s2, s19;
	[sflag:s14] =	ssyncadd.s32 $0xFFFFFF80  }
0x1b: {  	[tilespmem:s15], [sflag:$0x3] =	stream.linear.gather [hbm4b:s19+s4], $0x80, $0x38;
	[tilespmem:$0x18100] =	vst v63  }
0x1c: {  	_ =	swait.ge [sflag:s14], $0x80  }
0x1d: {  	[sflag:s14] =	ssyncset.done $0x0  }
0x1e: {  	[sflag:s14] =	ssyncadd.s32 $0xFFFFFF80  }
0x1f: {  	[tilespmem:s16], [sflag:$0x1] =	stream.indirect.gather [hbm4b:s5+s15], $0x80, s4, s15, $0xb8;
	[tilespmem:$0x18100] =	vst v63  }
0x20: {  	_ =	swait.ge [sflag:s17], $0x4000  }
0x21: {  	s30 =	simm.s32 $0x80;
	[sflag:s17] =	ssyncset.done $0x0  }
0x22: {  	s31 =	sand.u32 $0x3C00, s30;
	[sflag:s17] =	ssyncadd.s32 $0xFFFFC000  }
0x23: {  	[spmem:s3] =	stream.indirect.scatter.add.f32 [tilespmem:s16], [sflag:$0x3], $0x80, s15, s15, $0xb8;
	[tilespmem:$0x18100] =	vst v63  }
0x24: {  	s21 =	sand.u32 $0x380, s30;
	s20 =	sadd.s32 s9, s31;
	_ =	swait.ge [sflag:s14], $0x4000  }
0x25: {  	s20 =	sor.u32 s21, s20;
	s19 =	simm.s32 $0x100;
	[sflag:s14] =	ssyncset.done $0x0  }
.LBB2_2:
0x26: {  	s20 =	sshrl.u32 s20, $0x3  }
0x27: {  	[sflag:s14] =	ssyncadd.s32 $0xFFFFC000;
	s21 =	smov.u32 s19;
	s22 =	sadd.s32 $0x80, s19  }
0x28: {  	p0 =	sne.s32 s19, $0x2780;
	s19 =	sadd.s32 s6, s20  }
0x29: {  	[tilespmem:s4], [sflag:$0x3] =	stream.linear.gather [hbm4b:s19+s4], $0x80, $0x38;
	[tilespmem:$0x18100] =	vst v63  }
0x2a: {  	_ =	swait.ge [sflag:s14], $0x80  }
0x2b: {  	[sflag:s14] =	ssyncset.done $0x0  }
0x2c: {  	s19 =	sadd.s32 s2, s20;
	[sflag:s14] =	ssyncadd.s32 $0xFFFFFF80  }
0x2d: {  	[tilespmem:s15], [sflag:$0x3] =	stream.linear.gather [hbm4b:s19+s4], $0x80, $0x38;
	[tilespmem:$0x18100] =	vst v63  }
0x2e: {  	_ =	swait.ge [sflag:s14], $0x80  }
0x2f: {  	[sflag:s14] =	ssyncset.done $0x0  }
0x30: {  	[sflag:s14] =	ssyncadd.s32 $0xFFFFFF80  }
0x31: {  	[tilespmem:s16], [sflag:$0x1] =	stream.indirect.gather [hbm4b:s5+s15], $0x80, s4, s15, $0xb8;
	[tilespmem:$0x18100] =	vst v63  }
0x32: {  	_ =	swait.ge [sflag:s17], $0x4000  }
.Ltmp0:
0x33: {  	[sflag:s17] =	ssyncset.done $0x0;
	(pc) =	sbr.rel @p0 .LBB2_2-.Ltmp0, $4  }
0x34: {  	s19 =	sand.u32 $0x3C00, s21;
	[sflag:s17] =	ssyncadd.s32 $0xFFFFC000  }
0x35: {  	[spmem:s3] =	stream.indirect.scatter.add.f32 [tilespmem:s16], [sflag:$0x3], $0x80, s15, s15, $0xb8;
	[tilespmem:$0x18100] =	vst v63  }
0x36: {  	s20 =	sand.u32 $0x380, s21;
	s19 =	sadd.s32 s9, s19;
	_ =	swait.ge [sflag:s14], $0x4000  }
0x37: {  	s20 =	sor.u32 s20, s19;
	s19 =	smov.u32 s22;
	[sflag:s14] =	ssyncset.done $0x0  }
0x38: {  	s19 =	sshrl.u32 s20, $0x3  }
0x39: {  	[sflag:s14] =	ssyncadd.s32 $0xFFFFC000;
	s20 =	sadd.s32 s6, s19  }
0x3a: {  	[tilespmem:s4], [sflag:$0x3] =	stream.linear.gather [hbm4b:s20+s4], $0x80, $0x38;
	[tilespmem:$0x18100] =	vst v63  }
0x3b: {  	_ =	swait.ge [sflag:s14], $0x80  }
0x3c: {  	[sflag:s14] =	ssyncset.done $0x0  }
0x3d: {  	s19 =	sadd.s32 s2, s19;
	[sflag:s14] =	ssyncadd.s32 $0xFFFFFF80  }
0x3e: {  	[tilespmem:s15], [sflag:$0x3] =	stream.linear.gather [hbm4b:s19+s4], $0x80, $0x38;
	[tilespmem:$0x18100] =	vst v63  }
0x3f: {  	_ =	swait.ge [sflag:s14], $0x80  }
0x40: {  	[sflag:s14] =	ssyncset.done $0x0  }
0x41: {  	[sflag:s14] =	ssyncadd.s32 $0xFFFFFF80  }
0x42: {  	[tilespmem:s16], [sflag:$0x1] =	stream.indirect.gather [hbm4b:s5+s15], $0x80, s4, s15, $0xb8;
	[tilespmem:$0x18100] =	vst v63  }
0x43: {  	_ =	swait.ge [sflag:s17], $0x4000  }
0x44: {  	[sflag:s17] =	ssyncset.done $0x0  }
0x45: {  	[sflag:s17] =	ssyncadd.s32 $0xFFFFC000  }
0x46: {  	[spmem:s3] =	stream.indirect.scatter.add.f32 [tilespmem:s16], [sflag:$0x3], $0x80, s15, s15, $0xb8;
	[tilespmem:$0x18100] =	vst v63  }
0x47: {  	_ =	swait.ge [sflag:s14], $0x4000  }
0x48: {  	s18 =	sadd.s32 $0x1, s18;
	[sflag:s14] =	ssyncset.done $0x0  }
0x49: {  	p0 =	sne.s32 s18, s11;
	[sflag:s14] =	ssyncadd.s32 $0xFFFFC000  }
.Ltmp1:
0x4a: {  	[bflag:$0x0] =	sbarrier.arrive $0xFFFF;
	(pc) =	sbr.rel @p0 .LBB2_1-.Ltmp1, $4  }
0x4b: {  	[hbm:s10], [sflag:s8] =	dma.local [spmem:s12], $0x2800  }
0x4c: {  	_ =	swait.ge [sflag:s13], $0x2800  }
0x4d: {  	[sflag:s13] =	ssyncset.done $0x0  }
0x4e: {  	[sflag:s13] =	ssyncadd.s32 $0xFFFFD800  }
0x4f: {  	_ =	sfence.sel $0x180000  }
0x50: {  	[bflag:$0x0] =	sbarrier.arrive $0xFFFF  }
0x51: {  	p0 =	sne.s32 s1, $0x0;
	_ =	strace $0x9000004A  }
0x52: {  	s0 =	sadd.s32 @!p0 $0x100000, s0;
	[bflag:$0x2] =	sbarrier.arrive $0xFFFF  }
0x53: {  	[sflag:s0] =	ssyncadd.tile.s32 @!p0 $0x1;
	_ =	shalt  }
.Lfunc_end2:
_tile_overlayer_lowered:
.L_overlay_start_2:
0x54: {  	(tag) =	ssettag $0x2  }
0x55: {  	s0 =	rddreg [dreg:$0x0];
	s2 =	stileid.u32  }
0x56: {  	s1 =	rddreg [dreg:$0x1];
	p0 =	sne.s32 s2, $0x0  }
0x57: {  	s3 =	rddreg [dreg:$0x2];
	[bflag:$0x3] =	sbarrier.arrive $0xFFFF;
	s2 =	simm.s32 @!p0 $0x1C03  }
0x58: {  	[timem:s3], [sflag:s2] =	dma.local @!p0 [hbm:s0], s1  }
0x59: {  	s0 =	simm.s32 @!p0 $0x3  }
0x5a: {  	_ =	swait.ge @!p0 [sflag:s0], s1  }
0x5b: {  	s1 =	ssub.s32 @!p0 $0x0, s1;
	[sflag:s0] =	ssyncset.done @!p0 $0x0  }
0x5c: {  	[sflag:s0] =	ssyncadd.s32 @!p0 s1  }
0x5d: {  	[bflag:$0x3] =	sbarrier.arrive $0xFFFF  }
0x5e: {  	_ =	shalt  }

// kernel: kernel.15.cloned.1.call-start
scs
__scs_entry_jumppad:
0x0: {  	(pc) =	sbr.rel $0x88, $3  }
0x1: {  	(tag) =	ssettag $0x0;
	lr =	simm.s32 $0x1  }
0x2: {  	[smem:$0x3F9B] =	sst lr;
	_ =	strace $0xD0000000  }
0x3: {  	_ = 	snop  }
0x4: {  	_ = 	snop  }
0x5: {  	_ = 	snop  }
0x6: {  	_ = 	snop  }
0x7: {  	_ = 	snop  }
__scs_overlays_trampoline_lowered:
0x8: {  	[smem:$0x3FAA] =	sst s0  }
0x9: {  	[smem:$0x3FAB] =	sst s1  }
0xa: {  	[smem:$0x3FAC] =	sst s2  }
0xb: {  	[smem:$0x3FAD] =	sst s3  }
0xc: {  	[smem:$0x3FAE] =	sst s4  }
0xd: {  	[smem:$0x3FAF] =	sst s5  }
0xe: {  	[smem:$0x3FB0] =	sst s6  }
0xf: {  	[smem:$0x3FB1] =	sst s7  }
0x10: {  	[smem:$0x3FB2] =	sst s8  }
0x11: {  	[smem:$0x3FB3] =	sst s9;
	s0 =	simm.s32 @!p0 $0x0  }
0x12: {  	s1 =	sld [smem:$0x3F99];
	s0 =	simm.s32 @p0 $0x1  }
0x13: {  	[smem:$0x3FB4] =	sst s0;
	s0 =	simm.s32 @!p1 $0x0  }
0x14: {  	s2 =	sld [smem:$0x3F98];
	s0 =	simm.s32 @p1 $0x1  }
0x15: {  	[smem:$0x3FB5] =	sst s0;
	s0 =	simm.s32 @!p2 $0x0  }
0x16: {  	s3 =	sld [smem:$0x3FDB];
	s0 =	simm.s32 @p2 $0x1  }
0x17: {  	s4 =	simm.s32 $0x1BF5;
	[smem:$0x3FB7] =	sst s0  }
0x18: {  	s0 =	sld [smem:$0x3F9A];
	_ =	swait.ge [sflag:s4], $0x0  }
0x19: {  	s7 =	sld [smem:$0x3F9B]  }
0x1a: {  	s8 =	sadd.s32 $0xFFFFE003, lr  }
0x1b: {  	s9 =	sadd.s32 $0xFFFFFEF7, lr;
	s5 =	simm.s32 $0xFFFFFFFF;
	p2 =	slt.u32 s8, $0xFFFFF086  }
0x1c: {  	p1 =	slt.u32 s9, $0xF7A;
	s5 =	simm.s32 @!p2 $0x0  }
0x1d: {  	s5 =	simm.s32 @p1 $0x1;
	p0 =	seq.s32 s7, s2  }
0x1e: {  	s7 =	smul.u32 @!p0 $0xF7A, s2;
	p2 =	seq.s32 @!p0 s5, $0x0  }
0x1f: {  	s9 =	smul.u32 $0xF7A, s1;
	s8 =	simm.s32 @!p0 $0x1BF5;
	p2 =	por !p2, p0  }
0x20: {  	[sflag:s8] =	ssyncset.s32 @!p0 $0xFFFFF086;
	s6 =	sadd.s32 @!p0 s3, s7;
	s7 =	simm.s32 @!p0 $0x108  }
0x21: {  	s3 =	sadd.s32 s3, s9;
	s6 =	sadd.s32 @!p0 $0x88, s6;
	s7 =	simm.s32 @p2 $0x1082  }
0x22: {  	[simem:s7], [sflag:s8] =	dma.local @!p0 [hbm:s6], $0xF7A  }
0x23: {  	s9 =	sor.u32 $0xD0000000, s2;
	s6 =	simm.s32 $0x108;
	_ =	swait.ge @!p0 [sflag:s8], $0x0  }
0x24: {  	s3 =	sadd.s32 $0x88, s3;
	s6 =	simm.s32 @!p1 $0x1082;
	[sflag:s4] =	ssyncset.s32 $0xFFFFF086  }
0x25: {  	[simem:s6], [sflag:s4] =	dma.local [hbm:s3], $0xF7A  }
0x26: {  	[smem:$0x3F9B] =	sst s1;
	(tag) =	ssettag s2;
	_ =	strace s9  }
0x27: {  	s1 =	sld [smem:$0x3FAB]  }
0x28: {  	s2 =	sld [smem:$0x3FAC]  }
0x29: {  	s4 =	sld [smem:$0x3FAE]  }
0x2a: {  	p0 =	seq.s32 s5, $0x0;
	s5 =	sld [smem:$0x3FAF]  }
0x2b: {  	s6 =	sld [smem:$0x3FB0]  }
0x2c: {  	s7 =	sld [smem:$0x3FB1]  }
0x2d: {  	s3 =	simm.s32 $0x108;
	s8 =	sld [smem:$0x3FB2]  }
0x2e: {  	s3 =	simm.s32 @!p0 $0x1082;
	s9 =	sld [smem:$0x3FB3]  }
0x2f: {  	lr =	sadd.s32 s0, s3;
	s0 =	sld [smem:$0x3FAA]  }
0x30: {  	s3 =	sld [smem:$0x3FAD]  }
0x31: {  	[smem:$0x3FB6] =	sst s10  }
0x32: {  	s10 =	sld [smem:$0x3FB4];
	_ =	sdelay $0x3  }
0x33: {  	p0 =	seq.s32 s10, $0x1;
	s10 =	sld [smem:$0x3FB6];
	_ =	sdelay $0x3  }
0x34: {  	[smem:$0x3FB6] =	sst s10  }
0x35: {  	s10 =	sld [smem:$0x3FB5];
	_ =	sdelay $0x3  }
0x36: {  	p1 =	seq.s32 s10, $0x1;
	s10 =	sld [smem:$0x3FB6];
	_ =	sdelay $0x3  }
0x37: {  	[smem:$0x3FB6] =	sst s10  }
0x38: {  	s10 =	sld [smem:$0x3FB7]  }
0x39: {  	_ = 	snop;
	(pc) =	sbr.ind lr, $3  }
0x3a: {  	_ = 	snop  }
0x3b: {  	_ = 	snop  }
0x3c: {  	p2 =	seq.s32 s10, $0x1;
	s10 =	sld [smem:$0x3FB6]  }
0x3d: {  	_ =	shalt  }
0x3e: {  	_ =	shalt  }
0x3f: {  	_ =	shalt  }
0x40: {  	_ =	shalt  }
0x41: {  	_ =	shalt  }
0x42: {  	_ =	shalt  }
0x43: {  	_ =	shalt  }
0x44: {  	_ =	shalt  }
0x45: {  	_ =	shalt  }
0x46: {  	_ =	shalt  }
0x47: {  	_ =	shalt  }
0x48: {  	_ =	shalt  }
0x49: {  	_ =	shalt  }
0x4a: {  	_ =	shalt  }
0x4b: {  	_ =	shalt  }
0x4c: {  	_ =	shalt  }
0x4d: {  	_ =	shalt  }
0x4e: {  	_ =	shalt  }
0x4f: {  	_ =	shalt  }
0x50: {  	_ =	shalt  }
0x51: {  	_ =	shalt  }
0x52: {  	_ =	shalt  }
0x53: {  	_ =	shalt  }
0x54: {  	_ =	shalt  }
0x55: {  	_ =	shalt  }
0x56: {  	_ =	shalt  }
0x57: {  	_ =	shalt  }
0x58: {  	_ =	shalt  }
0x59: {  	_ =	shalt  }
0x5a: {  	_ =	shalt  }
0x5b: {  	_ =	shalt  }
0x5c: {  	_ =	shalt  }
0x5d: {  	_ =	shalt  }
0x5e: {  	_ =	shalt  }
0x5f: {  	_ =	shalt  }
0x60: {  	_ =	shalt  }
0x61: {  	_ =	shalt  }
0x62: {  	_ =	shalt  }
0x63: {  	_ =	shalt  }
0x64: {  	_ =	shalt  }
0x65: {  	_ =	shalt  }
0x66: {  	_ =	shalt  }
0x67: {  	_ =	shalt  }
0x68: {  	_ =	shalt  }
0x69: {  	_ =	shalt  }
0x6a: {  	_ =	shalt  }
0x6b: {  	_ =	shalt  }
0x6c: {  	_ =	shalt  }
0x6d: {  	_ =	shalt  }
0x6e: {  	_ =	shalt  }
0x6f: {  	_ =	shalt  }
0x70: {  	_ =	shalt  }
0x71: {  	_ =	shalt  }
0x72: {  	_ =	shalt  }
0x73: {  	_ =	shalt  }
0x74: {  	_ =	shalt  }
0x75: {  	_ =	shalt  }
0x76: {  	_ =	shalt  }
0x77: {  	_ =	shalt  }
0x78: {  	_ =	shalt  }
0x79: {  	_ =	shalt  }
0x7a: {  	_ =	shalt  }
0x7b: {  	_ =	shalt  }
0x7c: {  	_ =	shalt  }
0x7d: {  	_ =	shalt  }
0x7e: {  	_ =	shalt  }
0x7f: {  	_ =	shalt  }
0x80: {  	_ =	shalt  }
0x81: {  	_ =	shalt  }
0x82: {  	_ =	shalt  }
0x83: {  	_ =	shalt  }
0x84: {  	_ =	shalt  }
0x85: {  	_ =	shalt  }
0x86: {  	_ =	shalt  }
0x87: {  	_ =	shalt  }
.Lfunc_end0:
.L_simem_size_0:
called_computation.2_lowered:
.L_overlay_start_0:
0x88: {  	s2 =	sld [smem:$0x3FD9]  }
0x89: {  	s3 =	sld [smem:$0x3FFE];
	_ =	sdelay $0x1  }
0x8a: {  	s1 =	srdreg.scid  }
0x8b: {  	s0 =	sand.u32 $0x1, s1  }
0x8c: {  	s17 =	sshll.u32 s0, $0xA;
	s2 =	sadd.s32 s3, s2  }
0x8d: {  	s2 =	sadd.s32 s2, s17  }
0x8e: {  	[smem:$0x3FC2] =	sst s2  }
0x8f: {  	_ = 	snop  }
0x90: {  	s2 =	sld [smem:$0x3FD0];
	(tm) =	ssettm $0x1  }
0x91: {  	s18 =	sld [smem:$0x3FFB];
	_ =	sdelay $0x3  }
0x92: {  	_ =	strace s18  }
0x93: {  	s3 =	sld [smem:$0x3FFC];
	_ =	sdelay $0x3  }
0x94: {  	_ =	strace s3  }
0x95: {  	s3 =	sld [smem:$0x3FFD];
	_ =	sdelay $0x3  }
0x96: {  	_ =	strace s3  }
0x97: {  	_ =	strace $0x8FFFFFFF  }
0x98: {  	s19 =	sld [smem:$0x3FDB];
	_ =	sdelay $0x1  }
0x99: {  	s4 =	simm.s32 $_scs_section_size  }
0x9a: {  	s5 =	simm.s32 $_size__tile_overlayer_lowered;
	s6 =	simm.s32 $_tile_overlayer_lowered  }
0x9b: {  	s22 =	simm.s32 $0x1BFF;
	s21 =	sshll.u32 s6, $0x1;
	s3 =	sadd.s32 s4, s19  }
0x9c: {  	s7 =	simm.s32 $0x0;
	s20 =	sshll.u32 s5, $0x1;
	s5 =	sadd.s32 s21, s3  }
0x9d: {  	[timem:s7], [sflag:s22] =	dma.local [hbm:s5], s20  }
0x9e: {  	_ =	swait.ge [sflag:s22], s20  }
0x9f: {  	s4 =	ssub.s32 $0x0, s20;
	[sflag:s22] =	ssyncset.done $0x0  }
0xa0: {  	[sflag:s22] =	ssyncadd.s32 s4;
	_ =	sdelay $0x1  }
0xa1: {  	s23 =	simm.s32 $0x1B8B  }
0xa2: {  	_ =	swait.ge [sflag:s23], $0x1  }
0xa3: {  	[sflag:s23] =	ssyncset.done $0x0  }
0xa4: {  	s25 =	simm.s32 $0x1B8E;
	s24 =	sld [smem:$0x3FFE];
	[sflag:s23] =	ssyncadd.s32 $0xFFFFFFFF  }
0xa5: {  	s26 =	simm.s32 $execute0_lowered;
	[smem:$0x3FD2] =	sst s25  }
0xa6: {  	s5 =	sshll.u32 s26, $0x1;
	_ =	strace $0x8000004C;
	[dreg:$0x1] =	wrdreg $0xFFFFFFFF  }
0xa7: {  	s28 =	simm.s32 $_size_execute0_lowered;
	s3 =	sadd.s32 s3, s5;
	[dreg:$0x0] =	wrdreg $0x0  }
0xa8: {  	s5 =	sshll.u32 s28, $0x1;
	[dreg:$0x2] =	wrdreg s3  }
0xa9: {  	[dreg:$0x3] =	wrdreg s5  }
0xaa: {  	[dreg:$0x4] =	wrdreg $0xC0  }
0xab: {  	_ =	task [dreg:s7], $0x5FFFF  }
0xac: {  	[dreg:$0x1] =	wrdreg $0xFFFFFFFF  }
0xad: {  	[dreg:$0x0] =	wrdreg $0x60  }
0xae: {  	[dreg:$0x2] =	wrdreg s24  }
0xaf: {  	[dreg:$0x3] =	wrdreg s2  }
0xb0: {  	[dreg:$0x4] =	wrdreg $0x41000  }
0xb1: {  	[dreg:$0x5] =	wrdreg $0x9  }
0xb2: {  	_ =	task.clear_ibuf [dreg:s7], $0x6FFFF;
	_ =	strace $0x9000004C  }
0xb3: {  	s29 =	simm.s32 $0x9;
	_ =	strace $0x8000004E  }
0xb4: {  	_ =	swait.ge [sflag:s29], $0x1  }
0xb5: {  	[sflag:s29] =	ssyncadd.s32 $0xFFFFFFFF  }
0xb6: {  	_ =	strace $0x9000004E  }
0xb7: {  	_ =	sfence  }
0xb8: {  	s30 =	sld [smem:$0x0];
	_ =	sdelay $0x2  }
0xb9: {  	s31 =	sshll.u32 s1, $0xD;
	s1 =	sshrl.u32 s1, $0x2  }
0xba: {  	s3 =	sand.u32 $0x4000, s31;
	s1 =	sadd.s32 s1, s30  }
0xbb: {  	s0 =	sor.u32 s3, s0;
	s1 =	sshll.u32 s1, $0x11  }
0xbc: {  	s0 =	sor.u32 s1, s0  }
0xbd: {  	s0 =	sadd.s32 $0x8F2B, s0  }
0xbe: {  	[sflag:s0] =	ssyncadd.remote.s32 $0x1  }
0xbf: {  	_ =	sfence.sel $0xFFFF  }
0xc0: {  	[dreg:$0x0] =	wrdreg $0xFFFFFFFF;
	(pc) =	sbr.abs _section_cstart, $3  }
0xc1: {  	[dreg:$0x1] =	wrdreg $0xFFFFFFFF  }
0xc2: {  	_ =	task.clear_ibuf [dreg:s7], $0x2FFFF;
	_ =	strace $0x9FFFFFFF  }
0xc3: {  	(tm) =	ssettm $0x7FFFFFFF  }
tec
execute0_lowered:
.L_overlay_start_1:
0x0: {  	(tag) =	ssettag $0x1  }
0x1: {  	s7 =	rddreg [dreg:$0x0]  }
0x2: {  	s2 =	rddreg [dreg:$0x1]  }
0x3: {  	s3 =	rddreg [dreg:$0x2]  }
0x4: {  	s0 =	rddreg [dreg:$0x3]  }
0x5: {  	s1 =	stileid.u32;
	s5 =	srdreg.scid;
	s4 =	simm.s32 $0x0  }
0x6: {  	s15 =	simm.s32 $0x80;
	s16 =	simm.s32 $0x100;
	s17 =	simm.s32 $0x1  }
0x7: {  	s18 =	simm.s32 $0x0;
	s6 =	smul.u32 $0x14000, s1;
	s8 =	sand.u32 $0x1, s5  }
0x8: {  	[smem:$0x7FF] =	sst s4;
	s5 =	sadd.s32 $0x2200, s7;
	s12 =	smul.u32 $0x50000, s1  }
0x9: {  	s28 =	sshll.u32 s1, $0x1;
	s31 =	sshll.u32 s1, $0x6;
	s9 =	smul.u32 $0x140000, s8  }
0xa: {  	_ =	strace $0x8000004D;
	s11 =	ssub.s32 $0x2, s8;
	s30 =	sor.u32 s8, s28  }
0xb: {  	s8 =	sor.u32 $0x1C02, s31;
	s10 =	sshrl.u32 s6, $0x3;
	s26 =	sshrl.u32 s11, $0x1  }
0xc: {  	s29 =	sshrl.u32 s12, $0x2;
	s10 =	sadd.s32 s10, s7;
	s6 =	sadd.s32 s6, s9  }
0xd: {  	s11 =	ssub.s32 s11, s26;
	s14 =	sadd.s32 s29, s3;
	s9 =	sshrl.u32 s6, $0x3  }
0xe: {  	s6 =	sadd.s32 $0x7A200, s7;
	s11 =	smax.u32 s11, $0x1;
	s12 =	sshrl.u32 s14, $0x3  }
0xf: {  	s14 =	simm.s32 $0x3;
	s13 =	sadd.s32 s9, s7;
	s7 =	sadd.s32 $0x84200, s10  }
0x10: {  	s9 =	smul.u32 $0x2800, s30;
	s10 =	sadd.s32 $0xAC200, s13;
	s13 =	simm.s32 $0x2  }
.LBB2_1:
0x11: {  	[spmem:s12], [sflag:s8] =	dma.local [hbm:s7], $0x2800  }
0x12: {  	s19 =	sand.u32 $0x3C00, s4  }
0x13: {  	s20 =	sand.u32 $0x380, s4;
	_ =	swait.ge [sflag:s13], $0x2800;
	s19 =	sadd.s32 s9, s19  }
0x14: {  	[sflag:s13] =	ssyncset.done $0x0;
	s19 =	sor.u32 s20, s19  }
0x15: {  	[sflag:s13] =	ssyncadd.s32 $0xFFFFD800;
	s19 =	sshrl.u32 s19, $0x3  }
0x16: {  	[bflag:$0x0] =	sbarrier.arrive $0xFFFF;
	s29 =	sadd.s32 s6, s19  }
0x17: {  	[tilespmem:s4], [sflag:$0x3] =	stream.linear.gather [hbm4b:s29+s4], $0x80, $0x38;
	[tilespmem:$0x18100] =	vst v63  }
0x18: {  	_ =	swait.ge [sflag:s14], $0x80  }
0x19: {  	[sflag:s14] =	ssyncset.done $0x0  }
0x1a: {  	s19 =	sadd.s32 s2, s19;
	[sflag:s14] =	ssyncadd.s32 $0xFFFFFF80  }
0x1b: {  	[tilespmem:s15], [sflag:$0x3] =	stream.linear.gather [hbm4b:s19+s4], $0x80, $0x38;
	[tilespmem:$0x18100] =	vst v63  }
0x1c: {  	_ =	swait.ge [sflag:s14], $0x80  }
0x1d: {  	[sflag:s14] =	ssyncset.done $0x0  }
0x1e: {  	[sflag:s14] =	ssyncadd.s32 $0xFFFFFF80  }
0x1f: {  	[tilespmem:s16], [sflag:$0x1] =	stream.indirect.gather [hbm4b:s5+s15], $0x80, s4, s15, $0xb8;
	[tilespmem:$0x18100] =	vst v63  }
0x20: {  	_ =	swait.ge [sflag:s17], $0x4000  }
0x21: {  	s30 =	simm.s32 $0x80;
	[sflag:s17] =	ssyncset.done $0x0  }
0x22: {  	s31 =	sand.u32 $0x3C00, s30;
	[sflag:s17] =	ssyncadd.s32 $0xFFFFC000  }
0x23: {  	[spmem:s3] =	stream.indirect.scatter.add.f32 [tilespmem:s16], [sflag:$0x3], $0x80, s15, s15, $0xb8;
	[tilespmem:$0x18100] =	vst v63  }
0x24: {  	s21 =	sand.u32 $0x380, s30;
	s20 =	sadd.s32 s9, s31;
	_ =	swait.ge [sflag:s14], $0x4000  }
0x25: {  	s20 =	sor.u32 s21, s20;
	s19 =	simm.s32 $0x100;
	[sflag:s14] =	ssyncset.done $0x0  }
.LBB2_2:
0x26: {  	s20 =	sshrl.u32 s20, $0x3  }
0x27: {  	[sflag:s14] =	ssyncadd.s32 $0xFFFFC000;
	s21 =	smov.u32 s19;
	s22 =	sadd.s32 $0x80, s19  }
0x28: {  	p0 =	sne.s32 s19, $0x2780;
	s19 =	sadd.s32 s6, s20  }
0x29: {  	[tilespmem:s4], [sflag:$0x3] =	stream.linear.gather [hbm4b:s19+s4], $0x80, $0x38;
	[tilespmem:$0x18100] =	vst v63  }
0x2a: {  	_ =	swait.ge [sflag:s14], $0x80  }
0x2b: {  	[sflag:s14] =	ssyncset.done $0x0  }
0x2c: {  	s19 =	sadd.s32 s2, s20;
	[sflag:s14] =	ssyncadd.s32 $0xFFFFFF80  }
0x2d: {  	[tilespmem:s15], [sflag:$0x3] =	stream.linear.gather [hbm4b:s19+s4], $0x80, $0x38;
	[tilespmem:$0x18100] =	vst v63  }
0x2e: {  	_ =	swait.ge [sflag:s14], $0x80  }
0x2f: {  	[sflag:s14] =	ssyncset.done $0x0  }
0x30: {  	[sflag:s14] =	ssyncadd.s32 $0xFFFFFF80  }
0x31: {  	[tilespmem:s16], [sflag:$0x1] =	stream.indirect.gather [hbm4b:s5+s15], $0x80, s4, s15, $0xb8;
	[tilespmem:$0x18100] =	vst v63  }
0x32: {  	_ =	swait.ge [sflag:s17], $0x4000  }
.Ltmp0:
0x33: {  	[sflag:s17] =	ssyncset.done $0x0;
	(pc) =	sbr.rel @p0 .LBB2_2-.Ltmp0, $4  }
0x34: {  	s19 =	sand.u32 $0x3C00, s21;
	[sflag:s17] =	ssyncadd.s32 $0xFFFFC000  }
0x35: {  	[spmem:s3] =	stream.indirect.scatter.add.f32 [tilespmem:s16], [sflag:$0x3], $0x80, s15, s15, $0xb8;
	[tilespmem:$0x18100] =	vst v63  }
0x36: {  	s20 =	sand.u32 $0x380, s21;
	s19 =	sadd.s32 s9, s19;
	_ =	swait.ge [sflag:s14], $0x4000  }
0x37: {  	s20 =	sor.u32 s20, s19;
	s19 =	smov.u32 s22;
	[sflag:s14] =	ssyncset.done $0x0  }
0x38: {  	s19 =	sshrl.u32 s20, $0x3  }
0x39: {  	[sflag:s14] =	ssyncadd.s32 $0xFFFFC000;
	s20 =	sadd.s32 s6, s19  }
0x3a: {  	[tilespmem:s4], [sflag:$0x3] =	stream.linear.gather [hbm4b:s20+s4], $0x80, $0x38;
	[tilespmem:$0x18100] =	vst v63  }
0x3b: {  	_ =	swait.ge [sflag:s14], $0x80  }
0x3c: {  	[sflag:s14] =	ssyncset.done $0x0  }
0x3d: {  	s19 =	sadd.s32 s2, s19;
	[sflag:s14] =	ssyncadd.s32 $0xFFFFFF80  }
0x3e: {  	[tilespmem:s15], [sflag:$0x3] =	stream.linear.gather [hbm4b:s19+s4], $0x80, $0x38;
	[tilespmem:$0x18100] =	vst v63  }
0x3f: {  	_ =	swait.ge [sflag:s14], $0x80  }
0x40: {  	[sflag:s14] =	ssyncset.done $0x0  }
0x41: {  	[sflag:s14] =	ssyncadd.s32 $0xFFFFFF80  }
0x42: {  	[tilespmem:s16], [sflag:$0x1] =	stream.indirect.gather [hbm4b:s5+s15], $0x80, s4, s15, $0xb8;
	[tilespmem:$0x18100] =	vst v63  }
0x43: {  	_ =	swait.ge [sflag:s17], $0x4000  }
0x44: {  	[sflag:s17] =	ssyncset.done $0x0  }
0x45: {  	[sflag:s17] =	ssyncadd.s32 $0xFFFFC000  }
0x46: {  	[spmem:s3] =	stream.indirect.scatter.add.f32 [tilespmem:s16], [sflag:$0x3], $0x80, s15, s15, $0xb8;
	[tilespmem:$0x18100] =	vst v63  }
0x47: {  	_ =	swait.ge [sflag:s14], $0x4000  }
0x48: {  	s18 =	sadd.s32 $0x1, s18;
	[sflag:s14] =	ssyncset.done $0x0  }
0x49: {  	p0 =	sne.s32 s18, s11;
	[sflag:s14] =	ssyncadd.s32 $0xFFFFC000  }
.Ltmp1:
0x4a: {  	[bflag:$0x0] =	sbarrier.arrive $0xFFFF;
	(pc) =	sbr.rel @p0 .LBB2_1-.Ltmp1, $4  }
0x4b: {  	[hbm:s10], [sflag:s8] =	dma.local [spmem:s12], $0x2800  }
0x4c: {  	_ =	swait.ge [sflag:s13], $0x2800  }
0x4d: {  	[sflag:s13] =	ssyncset.done $0x0  }
0x4e: {  	[sflag:s13] =	ssyncadd.s32 $0xFFFFD800  }
0x4f: {  	_ =	sfence.sel $0x180000  }
0x50: {  	[bflag:$0x0] =	sbarrier.arrive $0xFFFF  }
0x51: {  	p0 =	sne.s32 s1, $0x0;
	_ =	strace $0x9000004D  }
0x52: {  	s0 =	sadd.s32 @!p0 $0x100000, s0;
	[bflag:$0x2] =	sbarrier.arrive $0xFFFF  }
0x53: {  	[sflag:s0] =	ssyncadd.tile.s32 @!p0 $0x1;
	_ =	shalt  }
.Lfunc_end2:
_tile_overlayer_lowered:
.L_overlay_start_2:
0x54: {  	(tag) =	ssettag $0x2  }
0x55: {  	s0 =	rddreg [dreg:$0x0];
	s2 =	stileid.u32  }
0x56: {  	s1 =	rddreg [dreg:$0x1];
	p0 =	sne.s32 s2, $0x0  }
0x57: {  	s3 =	rddreg [dreg:$0x2];
	[bflag:$0x3] =	sbarrier.arrive $0xFFFF;
	s2 =	simm.s32 @!p0 $0x1C03  }
0x58: {  	[timem:s3], [sflag:s2] =	dma.local @!p0 [hbm:s0], s1  }
0x59: {  	s0 =	simm.s32 @!p0 $0x3  }
0x5a: {  	_ =	swait.ge @!p0 [sflag:s0], s1  }
0x5b: {  	s1 =	ssub.s32 @!p0 $0x0, s1;
	[sflag:s0] =	ssyncset.done @!p0 $0x0  }
0x5c: {  	[sflag:s0] =	ssyncadd.s32 @!p0 s1  }
0x5d: {  	[bflag:$0x3] =	sbarrier.arrive $0xFFFF  }
0x5e: {  	_ =	shalt  }

// kernel: kernel.9.cloned.1.call-start
scs
__scs_entry_jumppad:
0x0: {  	(pc) =	sbr.rel $0x88, $3  }
0x1: {  	(tag) =	ssettag $0x0;
	lr =	simm.s32 $0x1  }
0x2: {  	[smem:$0x3F9B] =	sst lr;
	_ =	strace $0xD0000000  }
0x3: {  	_ = 	snop  }
0x4: {  	_ = 	snop  }
0x5: {  	_ = 	snop  }
0x6: {  	_ = 	snop  }
0x7: {  	_ = 	snop  }
__scs_overlays_trampoline_lowered:
0x8: {  	[smem:$0x3FAA] =	sst s0  }
0x9: {  	[smem:$0x3FAB] =	sst s1  }
0xa: {  	[smem:$0x3FAC] =	sst s2  }
0xb: {  	[smem:$0x3FAD] =	sst s3  }
0xc: {  	[smem:$0x3FAE] =	sst s4  }
0xd: {  	[smem:$0x3FAF] =	sst s5  }
0xe: {  	[smem:$0x3FB0] =	sst s6  }
0xf: {  	[smem:$0x3FB1] =	sst s7  }
0x10: {  	[smem:$0x3FB2] =	sst s8  }
0x11: {  	[smem:$0x3FB3] =	sst s9;
	s0 =	simm.s32 @!p0 $0x0  }
0x12: {  	s1 =	sld [smem:$0x3F99];
	s0 =	simm.s32 @p0 $0x1  }
0x13: {  	[smem:$0x3FB4] =	sst s0;
	s0 =	simm.s32 @!p1 $0x0  }
0x14: {  	s2 =	sld [smem:$0x3F98];
	s0 =	simm.s32 @p1 $0x1  }
0x15: {  	[smem:$0x3FB5] =	sst s0;
	s0 =	simm.s32 @!p2 $0x0  }
0x16: {  	s3 =	sld [smem:$0x3FDB];
	s0 =	simm.s32 @p2 $0x1  }
0x17: {  	s4 =	simm.s32 $0x1BF5;
	[smem:$0x3FB7] =	sst s0  }
0x18: {  	s0 =	sld [smem:$0x3F9A];
	_ =	swait.ge [sflag:s4], $0x0  }
0x19: {  	s7 =	sld [smem:$0x3F9B]  }
0x1a: {  	s8 =	sadd.s32 $0xFFFFE003, lr  }
0x1b: {  	s9 =	sadd.s32 $0xFFFFFEF7, lr;
	s5 =	simm.s32 $0xFFFFFFFF;
	p2 =	slt.u32 s8, $0xFFFFF086  }
0x1c: {  	p1 =	slt.u32 s9, $0xF7A;
	s5 =	simm.s32 @!p2 $0x0  }
0x1d: {  	s5 =	simm.s32 @p1 $0x1;
	p0 =	seq.s32 s7, s2  }
0x1e: {  	s7 =	smul.u32 @!p0 $0xF7A, s2;
	p2 =	seq.s32 @!p0 s5, $0x0  }
0x1f: {  	s9 =	smul.u32 $0xF7A, s1;
	s8 =	simm.s32 @!p0 $0x1BF5;
	p2 =	por !p2, p0  }
0x20: {  	[sflag:s8] =	ssyncset.s32 @!p0 $0xFFFFF086;
	s6 =	sadd.s32 @!p0 s3, s7;
	s7 =	simm.s32 @!p0 $0x108  }
0x21: {  	s3 =	sadd.s32 s3, s9;
	s6 =	sadd.s32 @!p0 $0x88, s6;
	s7 =	simm.s32 @p2 $0x1082  }
0x22: {  	[simem:s7], [sflag:s8] =	dma.local @!p0 [hbm:s6], $0xF7A  }
0x23: {  	s9 =	sor.u32 $0xD0000000, s2;
	s6 =	simm.s32 $0x108;
	_ =	swait.ge @!p0 [sflag:s8], $0x0  }
0x24: {  	s3 =	sadd.s32 $0x88, s3;
	s6 =	simm.s32 @!p1 $0x1082;
	[sflag:s4] =	ssyncset.s32 $0xFFFFF086  }
0x25: {  	[simem:s6], [sflag:s4] =	dma.local [hbm:s3], $0xF7A  }
0x26: {  	[smem:$0x3F9B] =	sst s1;
	(tag) =	ssettag s2;
	_ =	strace s9  }
0x27: {  	s1 =	sld [smem:$0x3FAB]  }
0x28: {  	s2 =	sld [smem:$0x3FAC]  }
0x29: {  	s4 =	sld [smem:$0x3FAE]  }
0x2a: {  	p0 =	seq.s32 s5, $0x0;
	s5 =	sld [smem:$0x3FAF]  }
0x2b: {  	s6 =	sld [smem:$0x3FB0]  }
0x2c: {  	s7 =	sld [smem:$0x3FB1]  }
0x2d: {  	s3 =	simm.s32 $0x108;
	s8 =	sld [smem:$0x3FB2]  }
0x2e: {  	s3 =	simm.s32 @!p0 $0x1082;
	s9 =	sld [smem:$0x3FB3]  }
0x2f: {  	lr =	sadd.s32 s0, s3;
	s0 =	sld [smem:$0x3FAA]  }
0x30: {  	s3 =	sld [smem:$0x3FAD]  }
0x31: {  	[smem:$0x3FB6] =	sst s10  }
0x32: {  	s10 =	sld [smem:$0x3FB4];
	_ =	sdelay $0x3  }
0x33: {  	p0 =	seq.s32 s10, $0x1;
	s10 =	sld [smem:$0x3FB6];
	_ =	sdelay $0x3  }
0x34: {  	[smem:$0x3FB6] =	sst s10  }
0x35: {  	s10 =	sld [smem:$0x3FB5];
	_ =	sdelay $0x3  }
0x36: {  	p1 =	seq.s32 s10, $0x1;
	s10 =	sld [smem:$0x3FB6];
	_ =	sdelay $0x3  }
0x37: {  	[smem:$0x3FB6] =	sst s10  }
0x38: {  	s10 =	sld [smem:$0x3FB7]  }
0x39: {  	_ = 	snop;
	(pc) =	sbr.ind lr, $3  }
0x3a: {  	_ = 	snop  }
0x3b: {  	_ = 	snop  }
0x3c: {  	p2 =	seq.s32 s10, $0x1;
	s10 =	sld [smem:$0x3FB6]  }
0x3d: {  	_ =	shalt  }
0x3e: {  	_ =	shalt  }
0x3f: {  	_ =	shalt  }
0x40: {  	_ =	shalt  }
0x41: {  	_ =	shalt  }
0x42: {  	_ =	shalt  }
0x43: {  	_ =	shalt  }
0x44: {  	_ =	shalt  }
0x45: {  	_ =	shalt  }
0x46: {  	_ =	shalt  }
0x47: {  	_ =	shalt  }
0x48: {  	_ =	shalt  }
0x49: {  	_ =	shalt  }
0x4a: {  	_ =	shalt  }
0x4b: {  	_ =	shalt  }
0x4c: {  	_ =	shalt  }
0x4d: {  	_ =	shalt  }
0x4e: {  	_ =	shalt  }
0x4f: {  	_ =	shalt  }
0x50: {  	_ =	shalt  }
0x51: {  	_ =	shalt  }
0x52: {  	_ =	shalt  }
0x53: {  	_ =	shalt  }
0x54: {  	_ =	shalt  }
0x55: {  	_ =	shalt  }
0x56: {  	_ =	shalt  }
0x57: {  	_ =	shalt  }
0x58: {  	_ =	shalt  }
0x59: {  	_ =	shalt  }
0x5a: {  	_ =	shalt  }
0x5b: {  	_ =	shalt  }
0x5c: {  	_ =	shalt  }
0x5d: {  	_ =	shalt  }
0x5e: {  	_ =	shalt  }
0x5f: {  	_ =	shalt  }
0x60: {  	_ =	shalt  }
0x61: {  	_ =	shalt  }
0x62: {  	_ =	shalt  }
0x63: {  	_ =	shalt  }
0x64: {  	_ =	shalt  }
0x65: {  	_ =	shalt  }
0x66: {  	_ =	shalt  }
0x67: {  	_ =	shalt  }
0x68: {  	_ =	shalt  }
0x69: {  	_ =	shalt  }
0x6a: {  	_ =	shalt  }
0x6b: {  	_ =	shalt  }
0x6c: {  	_ =	shalt  }
0x6d: {  	_ =	shalt  }
0x6e: {  	_ =	shalt  }
0x6f: {  	_ =	shalt  }
0x70: {  	_ =	shalt  }
0x71: {  	_ =	shalt  }
0x72: {  	_ =	shalt  }
0x73: {  	_ =	shalt  }
0x74: {  	_ =	shalt  }
0x75: {  	_ =	shalt  }
0x76: {  	_ =	shalt  }
0x77: {  	_ =	shalt  }
0x78: {  	_ =	shalt  }
0x79: {  	_ =	shalt  }
0x7a: {  	_ =	shalt  }
0x7b: {  	_ =	shalt  }
0x7c: {  	_ =	shalt  }
0x7d: {  	_ =	shalt  }
0x7e: {  	_ =	shalt  }
0x7f: {  	_ =	shalt  }
0x80: {  	_ =	shalt  }
0x81: {  	_ =	shalt  }
0x82: {  	_ =	shalt  }
0x83: {  	_ =	shalt  }
0x84: {  	_ =	shalt  }
0x85: {  	_ =	shalt  }
0x86: {  	_ =	shalt  }
0x87: {  	_ =	shalt  }
.Lfunc_end0:
.L_simem_size_0:
called_computation_lowered:
.L_overlay_start_0:
0x88: {  	s2 =	sld [smem:$0x3FD9]  }
0x89: {  	s3 =	sld [smem:$0x3FFE];
	_ =	sdelay $0x1  }
0x8a: {  	s1 =	srdreg.scid  }
0x8b: {  	s0 =	sand.u32 $0x1, s1  }
0x8c: {  	s17 =	sshll.u32 s0, $0xA;
	s2 =	sadd.s32 s3, s2  }
0x8d: {  	s2 =	sadd.s32 s2, s17  }
0x8e: {  	[smem:$0x3FC2] =	sst s2  }
0x8f: {  	_ = 	snop  }
0x90: {  	s2 =	sld [smem:$0x3FD0];
	(tm) =	ssettm $0x1  }
0x91: {  	s18 =	sld [smem:$0x3FFB];
	_ =	sdelay $0x3  }
0x92: {  	_ =	strace s18  }
0x93: {  	s3 =	sld [smem:$0x3FFC];
	_ =	sdelay $0x3  }
0x94: {  	_ =	strace s3  }
0x95: {  	s3 =	sld [smem:$0x3FFD];
	_ =	sdelay $0x3  }
0x96: {  	_ =	strace s3  }
0x97: {  	_ =	strace $0x8FFFFFFF  }
0x98: {  	s19 =	sld [smem:$0x3FDB];
	_ =	sdelay $0x1  }
0x99: {  	s4 =	simm.s32 $_scs_section_size  }
0x9a: {  	s5 =	simm.s32 $_size__tile_overlayer_lowered;
	s6 =	simm.s32 $_tile_overlayer_lowered  }
0x9b: {  	s22 =	simm.s32 $0x1BFF;
	s21 =	sshll.u32 s6, $0x1;
	s3 =	sadd.s32 s4, s19  }
0x9c: {  	s7 =	simm.s32 $0x0;
	s20 =	sshll.u32 s5, $0x1;
	s5 =	sadd.s32 s21, s3  }
0x9d: {  	[timem:s7], [sflag:s22] =	dma.local [hbm:s5], s20  }
0x9e: {  	_ =	swait.ge [sflag:s22], s20  }
0x9f: {  	s4 =	ssub.s32 $0x0, s20;
	[sflag:s22] =	ssyncset.done $0x0  }
0xa0: {  	[sflag:s22] =	ssyncadd.s32 s4;
	_ =	sdelay $0x1  }
0xa1: {  	s23 =	simm.s32 $0x1B8B  }
0xa2: {  	_ =	swait.ge [sflag:s23], $0x1  }
0xa3: {  	[sflag:s23] =	ssyncset.done $0x0  }
0xa4: {  	s25 =	simm.s32 $0x1B8E;
	s24 =	sld [smem:$0x3FFE];
	[sflag:s23] =	ssyncadd.s32 $0xFFFFFFFF  }
0xa5: {  	s26 =	simm.s32 $execute0_lowered;
	[smem:$0x3FD2] =	sst s25  }
0xa6: {  	s5 =	sshll.u32 s26, $0x1;
	_ =	strace $0x80000046;
	[dreg:$0x1] =	wrdreg $0xFFFFFFFF  }
0xa7: {  	s28 =	simm.s32 $_size_execute0_lowered;
	s3 =	sadd.s32 s3, s5;
	[dreg:$0x0] =	wrdreg $0x0  }
0xa8: {  	s5 =	sshll.u32 s28, $0x1;
	[dreg:$0x2] =	wrdreg s3  }
0xa9: {  	[dreg:$0x3] =	wrdreg s5  }
0xaa: {  	[dreg:$0x4] =	wrdreg $0xC0  }
0xab: {  	_ =	task [dreg:s7], $0x5FFFF  }
0xac: {  	[dreg:$0x1] =	wrdreg $0xFFFFFFFF  }
0xad: {  	[dreg:$0x0] =	wrdreg $0x60  }
0xae: {  	[dreg:$0x2] =	wrdreg s2  }
0xaf: {  	[dreg:$0x3] =	wrdreg s24  }
0xb0: {  	[dreg:$0x4] =	wrdreg $0x68000  }
0xb1: {  	[dreg:$0x5] =	wrdreg $0x9  }
0xb2: {  	_ =	task.clear_ibuf [dreg:s7], $0x6FFFF;
	_ =	strace $0x90000046  }
0xb3: {  	s29 =	simm.s32 $0x9;
	_ =	strace $0x80000048  }
0xb4: {  	_ =	swait.ge [sflag:s29], $0x1  }
0xb5: {  	[sflag:s29] =	ssyncadd.s32 $0xFFFFFFFF  }
0xb6: {  	_ =	strace $0x90000048  }
0xb7: {  	_ =	sfence  }
0xb8: {  	s30 =	sld [smem:$0x0];
	_ =	sdelay $0x2  }
0xb9: {  	s31 =	sshll.u32 s1, $0xD;
	s1 =	sshrl.u32 s1, $0x2  }
0xba: {  	s3 =	sand.u32 $0x4000, s31;
	s1 =	sadd.s32 s1, s30  }
0xbb: {  	s0 =	sor.u32 s3, s0;
	s1 =	sshll.u32 s1, $0x11  }
0xbc: {  	s0 =	sor.u32 s1, s0  }
0xbd: {  	s0 =	sadd.s32 $0x8F2B, s0  }
0xbe: {  	[sflag:s0] =	ssyncadd.remote.s32 $0x1  }
0xbf: {  	_ =	sfence.sel $0xFFFF  }
0xc0: {  	[dreg:$0x0] =	wrdreg $0xFFFFFFFF;
	(pc) =	sbr.abs _section_cstart, $3  }
0xc1: {  	[dreg:$0x1] =	wrdreg $0xFFFFFFFF  }
0xc2: {  	_ =	task.clear_ibuf [dreg:s7], $0x2FFFF;
	_ =	strace $0x9FFFFFFF  }
0xc3: {  	(tm) =	ssettm $0x7FFFFFFF  }
tec
execute0_lowered:
.L_overlay_start_1:
0x0: {  	(tag) =	ssettag $0x1  }
0x1: {  	s6 =	rddreg [dreg:$0x0]  }
0x2: {  	s4 =	rddreg [dreg:$0x1];
	s0 =	stileid.u32  }
0x3: {  	s1 =	srdreg.scid;
	s2 =	rddreg [dreg:$0x2]  }
0x4: {  	s3 =	simm.s32 $0x0;
	s7 =	sand.u32 $0x1, s1;
	s1 =	rddreg [dreg:$0x3]  }
0x5: {  	s14 =	simm.s32 $0x0;
	s5 =	smul.u32 $0x14000, s0;
	[smem:$0x7FF] =	sst s3  }
0x6: {  	s11 =	smul.u32 $0x50000, s0;
	s12 =	sshll.u32 s0, $0x1;
	s30 =	sshll.u32 s0, $0x6  }
0x7: {  	s8 =	smul.u32 $0x140000, s7;
	_ =	strace $0x80000047;
	s26 =	ssub.s32 $0x2, s7  }
0x8: {  	s28 =	sor.u32 s7, s12;
	s12 =	simm.s32 $0x80;
	s9 =	sshrl.u32 s5, $0x3  }
0x9: {  	s10 =	sshrl.u32 s26, $0x1;
	s29 =	sshrl.u32 s11, $0x2;
	s31 =	smul.u32 $0x500, s28  }
0xa: {  	s5 =	sadd.s32 s5, s8;
	s25 =	sadd.s32 s9, s4;
	s9 =	ssub.s32 s26, s10  }
0xb: {  	s11 =	sadd.s32 s29, s2;
	s10 =	simm.s32 $0x1;
	s5 =	sshrl.u32 s5, $0x3  }
0xc: {  	s6 =	sadd.s32 s6, s31;
	s8 =	smax.u32 s9, $0x1;
	s9 =	sshrl.u32 s11, $0x3  }
0xd: {  	s11 =	simm.s32 $0x2;
	s13 =	sadd.s32 s5, s4;
	s4 =	sadd.s32 $0x2200, s25  }
0xe: {  	v0 =	vimm.f32 $1.000000000e+00;
	s5 =	sor.u32 $0x1C01, s30;
	s7 =	sadd.s32 $0x2A200, s13;
	s13 =	simm.s32 $0x2800  }
.LBB2_1:
0xf: {  	[spmem:s9], [sflag:s5] =	dma.local [hbm:s4], $0x2800  }
0x10: {  	_ =	swait.ge [sflag:s10], $0x2800  }
0x11: {  	[sflag:s10] =	ssyncset.done $0x0  }
0x12: {  	[sflag:s10] =	ssyncadd.s32 $0xFFFFD800  }
0x13: {  	[tilespmem:s3], [sflag:$0x2] =	stream.linear.gather [hbm4b:s6+s3], $0x2800, $0x38;
	[tilespmem:$0x9000] =	vst v63  }
0x14: {  	_ =	swait.ge [sflag:s11], $0x2800  }
0x15: {  	[sflag:s11] =	ssyncset.done $0x0  }
0x16: {  	s15 =	simm.s32 $0x200;
	s16 =	simm.s32 $0x0;
	[sflag:s11] =	ssyncadd.s32 $0xFFFFD800  }
.LBB2_2:
0x17: {  	p0 =	sne.s32 s15, $0xFE00;
	[tilespmem:s16+$0x2800] =	vst v0;
	s16 =	smov.u32 s15;
	s15 =	sadd.s32 $0x200, s15  }
.Ltmp0:
0x18: {  	(pc) =	sbr.rel @p0 .LBB2_2-.Ltmp0, $2  }
0x19: {  	_ =	sdelay $0x2  }
0x1a: {  	s16 =	sshra.s32 s16, $0x2  }
0x1b: {  	[tilespmem:s16+$0x2800] =	vst v0  }
0x1c: {  	s15 =	simm.s32 $0x0;
	[bflag:$0x0] =	sbarrier.arrive $0xFFFF  }
0x1d: {  	[spmem:s2] =	stream.indirect.scatter.add.f32 [tilespmem:s13], [sflag:$0x2], $0x10, s15, s12, $0xb8;
	[tilespmem:$0x9000] =	vst v63  }
0x1e: {  	_ =	swait.ge [sflag:s11], $0x800  }
0x1f: {  	s15 =	simm.s32 $0x200;
	[sflag:s11] =	ssyncset.done $0x0  }
.LBB2_4:
0x20: {  	s16 =	sshra.s32 s15, $0x2;
	[sflag:s11] =	ssyncadd.s32 $0xFFFFF800;
	p0 =	sne.s32 s15, $0x9E00  }
0x21: {  	[spmem:s2] =	stream.indirect.scatter.add.f32 [tilespmem:s13], [sflag:$0x2], $0x10, s16, s12, $0xb8;
	[tilespmem:$0x9000] =	vst v63  }
.Ltmp1:
0x22: {  	_ = 	snop;
	(pc) =	sbr.rel @p0 .LBB2_4-.Ltmp1, $4  }
0x23: {  	_ = 	snop  }
0x24: {  	s15 =	sadd.s32 $0x200, s15  }
0x25: {  	_ =	swait.ge [sflag:s11], $0x800  }
0x26: {  	[sflag:s11] =	ssyncset.done $0x0  }
0x27: {  	s14 =	sadd.s32 $0x1, s14  }
0x28: {  	[sflag:s11] =	ssyncadd.s32 $0xFFFFF800;
	p0 =	sne.s32 s14, s8  }
.Ltmp2:
0x29: {  	[bflag:$0x0] =	sbarrier.arrive $0xFFFF;
	(pc) =	sbr.rel @p0 .LBB2_1-.Ltmp2, $4  }
0x2a: {  	[hbm:s7], [sflag:s5] =	dma.local [spmem:s9], $0x2800  }
0x2b: {  	_ =	swait.ge [sflag:s10], $0x2800  }
0x2c: {  	[sflag:s10] =	ssyncset.done $0x0  }
0x2d: {  	[sflag:s10] =	ssyncadd.s32 $0xFFFFD800  }
0x2e: {  	_ =	sfence.sel $0x180000  }
0x2f: {  	[bflag:$0x0] =	sbarrier.arrive $0xFFFF  }
0x30: {  	p0 =	sne.s32 s0, $0x0;
	_ =	strace $0x90000047  }
0x31: {  	s0 =	sadd.s32 @!p0 $0x100000, s1;
	[bflag:$0x2] =	sbarrier.arrive $0xFFFF  }
0x32: {  	[sflag:s0] =	ssyncadd.tile.s32 @!p0 $0x1;
	_ =	shalt  }
.Lfunc_end2:
_tile_overlayer_lowered:
.L_overlay_start_2:
0x33: {  	(tag) =	ssettag $0x2  }
0x34: {  	s0 =	rddreg [dreg:$0x0];
	s2 =	stileid.u32  }
0x35: {  	s1 =	rddreg [dreg:$0x1];
	p0 =	sne.s32 s2, $0x0  }
0x36: {  	s3 =	rddreg [dreg:$0x2];
	[bflag:$0x3] =	sbarrier.arrive $0xFFFF;
	s2 =	simm.s32 @!p0 $0x1C02  }
0x37: {  	[timem:s3], [sflag:s2] =	dma.local @!p0 [hbm:s0], s1  }
0x38: {  	s0 =	simm.s32 @!p0 $0x2  }
0x39: {  	_ =	swait.ge @!p0 [sflag:s0], s1  }
0x3a: {  	s1 =	ssub.s32 @!p0 $0x0, s1;
	[sflag:s0] =	ssyncset.done @!p0 $0x0  }
0x3b: {  	[sflag:s0] =	ssyncadd.s32 @!p0 s1  }
0x3c: {  	[bflag:$0x3] =	sbarrier.arrive $0xFFFF  }
0x3d: {  	_ =	shalt  }

</sc_bundles>
